<compile_context>
chip_gen: v7x
topology: tpu7x:2x2x1
jax: 0.10.2.dev20260603
libtpu: 0.0.44.dev20260713+nightly
codegen_flags: <defaults>
</compile_context>

<pallas_src>
import functools

import jax
import jax.numpy as jnp
from jax import lax
from jax.experimental import pallas as pl
from jax.experimental.pallas import tpu as pltpu
from jax.experimental.pallas import tpu_sc as plsc

N = 10000
E = 320000
NP = 10112
NW = 32
BLK = 128
KCH = -(-E // (NW * BLK))
EP = NW * BLK * KCH
EW_ = KCH * BLK

NBLK = -(-E // BLK)
KA = 101
KB = -(-(NBLK - 16 * KA) // 16)
KMAX = max(KA, KB)
RP = NP // 16
D = 128
L = 16

_mesh = plsc.VectorSubcoreMesh(core_axis_name="c", subcore_axis_name="s")


@functools.partial(
    pl.kernel,
    mesh=_mesh,
    out_type=jax.ShapeDtypeStruct((2, NP, D), jnp.float32),
    scratch_types=[
        pltpu.VMEM((KMAX, BLK), jnp.int32),
        pltpu.VMEM((KMAX, BLK), jnp.int32),
        pltpu.VMEM((BLK, D), jnp.float32),
        pltpu.VMEM_SHARED((NP, D), jnp.float32),
        pltpu.SemaphoreType.DMA,
    ],
)
def _edge_scatter(table_hbm, src_hbm, dst_hbm, zeros_hbm, out_hbm,
                  src_v, dst_v, rows_v, acc_sh, sem):
    c = lax.axis_index("c")
    s = lax.axis_index("s")
    w = c * 16 + s
    pltpu.sync_copy(zeros_hbm, acc_sh.at[pl.ds(s * RP, RP)])
    pltpu.sync_copy(src_hbm.at[w], src_v)
    pltpu.sync_copy(dst_hbm.at[w], dst_v)
    plsc.subcore_barrier()

    def body(j, carry):
        pltpu.async_copy(table_hbm.at[src_v.at[j]], rows_v, sem).wait()
        pltpu.sync_copy(rows_v, acc_sh.at[dst_v.at[j]], add=True)
        return carry

    @pl.when(c == 0)
    def _():
        lax.fori_loop(0, KA, body, 0)

    @pl.when(c == 1)
    def _():
        lax.fori_loop(0, KB, body, 0)
    plsc.subcore_barrier()
    pltpu.sync_copy(acc_sh.at[pl.ds(s * RP, RP)],
                    out_hbm.at[c, pl.ds(s * RP, RP)])


@functools.partial(
    pl.kernel,
    mesh=_mesh,
    out_type=jax.ShapeDtypeStruct((NW, NP), jnp.float32),
    scratch_types=[
        pltpu.VMEM((NP,), jnp.float32),
        pltpu.VMEM((NP,), jnp.float32),
        pltpu.VMEM((EW_,), jnp.int32),
        pltpu.VMEM((EW_,), jnp.int32),
    ],
    compiler_params=pltpu.CompilerParams(needs_layout_passes=False),
)
def _deg_scatter(ew_hbm, srcf_hbm, dstf_hbm, zrow_hbm, out_hbm,
                 ew_v, acc_v, src_v, dst_v):
    c = lax.axis_index("c")
    s = lax.axis_index("s")
    w = c * 16 + s
    pltpu.sync_copy(ew_hbm, ew_v)
    pltpu.sync_copy(zrow_hbm, acc_v)
    pltpu.sync_copy(srcf_hbm.at[w], src_v)
    pltpu.sync_copy(dstf_hbm.at[w], dst_v)

    def body(g, carry):
        idx_s = src_v[pl.ds(g * L, L)]
        idx_d = dst_v[pl.ds(g * L, L)]
        vals = plsc.load_gather(ew_v, [idx_s])
        plsc.addupdate_scatter(acc_v, [idx_d], vals)
        return carry

    lax.fori_loop(0, EW_ // L, body, 0)
    pltpu.sync_copy(acc_v, out_hbm.at[w])


def _tc_first(deg_ref, ew_ref, x_ref, w_ref, hs_ref, h_ref, f_ref, g_ref, s_ref):
    deg = 1.0 + jnp.sum(deg_ref[...], axis=0)[:, None]
    dinv = jnp.where(deg > 0, lax.rsqrt(deg), 0.0)
    f = dinv * ew_ref[...]
    h = jnp.dot(x_ref[...], w_ref[...], preferred_element_type=jnp.float32)
    hs_ref[...] = h * f
    h_ref[...] = h
    f_ref[...] = f
    g_ref[...] = dinv
    s_ref[...] = dinv * dinv


def _tc_mid(acc_ref, h_ref, f_ref, g_ref, s_ref, b_ref, w_ref, hs_o, h_o):
    accp = acc_ref[...]
    z = g_ref[...] * (accp[0] + accp[1]) + s_ref[...] * h_ref[...] + b_ref[...]
    a = jnp.maximum(z, 0.0)
    h = jnp.dot(a, w_ref[...], preferred_element_type=jnp.float32)
    hs_o[...] = h * f_ref[...]
    h_o[...] = h


def _tc_last(acc_ref, h_ref, g_ref, s_ref, b_ref, o_ref):
    accp = acc_ref[...]
    o_ref[...] = (g_ref[...] * (accp[0] + accp[1])
                  + s_ref[...] * h_ref[...] + b_ref[...])


_col = jax.ShapeDtypeStruct((NP, 1), jnp.float32)
_mat = jax.ShapeDtypeStruct((NP, D), jnp.float32)

_tc_first_call = pl.pallas_call(
    _tc_first, out_shape=[_mat, _mat, _col, _col, _col])

_tc_mid_call = pl.pallas_call(_tc_mid, out_shape=[_mat, _mat])

_tc_last_call = pl.pallas_call(_tc_last, out_shape=_mat)


@jax.jit
def kernel(x, edge_index, edge_weight, W1, b1, W2, b2, W3, b3):
    src = edge_index[0].astype(jnp.int32)
    dst = edge_index[1].astype(jnp.int32)
    pad_idx = jnp.full((EP - E,), N, jnp.int32)
    src_f = jnp.concatenate([src, pad_idx])
    dst_f = jnp.concatenate([dst, pad_idx])
    src2 = src_f.reshape(NW, EW_)
    dst2 = dst_f.reshape(NW, EW_)

    def split_cores(ids):
        ea = 16 * KA * BLK
        eb = 16 * KB * BLK
        ids_p = jnp.concatenate([ids, jnp.full((ea + eb - E,), N, jnp.int32)])
        part_a = ids_p[:ea].reshape(16, KA, BLK)
        part_b = ids_p[ea:].reshape(16, KB, BLK)
        part_a = jnp.pad(part_a, ((0, 0), (0, KMAX - KA), (0, 0)),
                         constant_values=N)
        part_b = jnp.pad(part_b, ((0, 0), (0, KMAX - KB), (0, 0)),
                         constant_values=N)
        return jnp.concatenate([part_a, part_b], axis=0)

    src3 = split_cores(src)
    dst3 = split_cores(dst)

    ew_p = jnp.pad(edge_weight.astype(jnp.float32), (0, NP - N))
    zrow = jnp.zeros((NP,), jnp.float32)
    z128 = jnp.zeros((RP, D), jnp.float32)

    x_p = jnp.pad(x, ((0, NP - N), (0, 0)))
    W1p = jnp.pad(W1, ((0, 0), (0, D - 50)))
    W2p = jnp.pad(W2, ((0, D - 50), (0, D - 50)))
    W3p = jnp.pad(W3, ((0, D - 50), (0, D - 40)))
    b1p = jnp.pad(b1, (0, D - 50))[None, :]
    b2p = jnp.pad(b2, (0, D - 50))[None, :]
    b3p = jnp.pad(b3, (0, D - 40))[None, :]

    deg_parts = _deg_scatter(ew_p, src2, dst2, zrow)
    hs1, h1, f, g, s = _tc_first_call(deg_parts, ew_p[:, None], x_p, W1p)
    acc1 = _edge_scatter(hs1, src3, dst3, z128)
    hs2, h2 = _tc_mid_call(acc1, h1, f, g, s, b1p, W2p)
    acc2 = _edge_scatter(hs2, src3, dst3, z128)
    hs3, h3 = _tc_mid_call(acc2, h2, f, g, s, b2p, W3p)
    acc3 = _edge_scatter(hs3, src3, dst3, z128)
    outp = _tc_last_call(acc3, h3, g, s, b3p)
    return outp[:N, :40]

# --- scband reference (transcript-rebuilt; emitter-appended) ---
"""Pipeline reference for scband-second-gcn-1958505087038 (READ-ONLY COPY).

The authoritative reference and input builder live on the scoring server;
editing this copy changes nothing except your own understanding.
"""

import jax, jax.numpy as jnp
import numpy as np

N = 10000
E = 320000
D_IN = 128
H = 50
C = 40


def gcn_conv(x, edge_index, edge_weight, W, b):
    # Faithful PyG GCNConv: add self loops, symmetric gcn_norm, x @ W, scatter-add, + bias
    n = x.shape[0]
    loop = jnp.arange(n)
    src = jnp.concatenate([edge_index[0], loop])
    dst = jnp.concatenate([edge_index[1], loop])
    ew = jnp.concatenate([edge_weight, jnp.ones((n,), x.dtype)])
    deg = jnp.zeros((n,), x.dtype).at[dst].add(ew)
    dinv = jnp.where(deg > 0, jax.lax.rsqrt(deg), 0.0)
    norm = dinv[src] * ew * dinv[dst]
    h = x @ W
    out = jnp.zeros((n, W.shape[1]), x.dtype).at[dst].add(h[src] * norm[:, None])
    return out + b


def setup_inputs(seed: int = 0):
    key = jax.random.key(seed)
    ks = jax.random.split(key, 10)
    x = jax.random.normal(ks[0], (N, D_IN), dtype=jnp.float32)
    edge_index = jax.random.randint(ks[1], (2, E), 0, N)
    edge_weight = jax.random.uniform(ks[2], (N,), dtype=jnp.float32)
    W1 = jax.random.normal(ks[3], (D_IN, H), dtype=jnp.float32) * 0.05
    b1 = jnp.zeros((H,), jnp.float32)
    W2 = jax.random.normal(ks[4], (H, H), dtype=jnp.float32) * 0.05
    b2 = jnp.zeros((H,), jnp.float32)
    W3 = jax.random.normal(ks[5], (H, C), dtype=jnp.float32) * 0.05
    b3 = jnp.zeros((C,), jnp.float32)
    return {"x": x, "edge_index": edge_index, "edge_weight": edge_weight,
            "W1": W1, "b1": b1, "W2": W2, "b2": b2, "W3": W3, "b3": b3}


def reference(x, edge_index, edge_weight, W1, b1, W2, b2, W3, b3):
    # original: edge_weight = edge_weight[edge_index.tolist()] -> per-node weight gathered per edge
    ew2 = edge_weight[edge_index]  # [2, E]
    ew = ew2[0]  # per-edge weight from source node row
    h = gcn_conv(x, edge_index, ew, W1, b1)
    h = jax.nn.relu(h)
    h = gcn_conv(h, edge_index, ew, W2, b2)
    h = jax.nn.relu(h)
    out = gcn_conv(h, edge_index, ew, W3, b3)
    return out

if __name__ == "__main__":
    import jax
    _d = setup_inputs()
    print(jax.jit(kernel)(*tuple(_d.values())))

</pallas_src>

<mosaic_0001>
#map = affine_map<(d0, d1) -> (0)>
#map1 = affine_map<(d0, d1) -> (0, 0)>
module attributes {stable_mosaic.version = 14 : i64} {
  func.func @_deg_scatter(%arg0: i32, %arg1: i32, %arg2: memref<10112xf32, #tpu.memory_space<hbm>>, %arg3: memref<32x10112xi32, #tpu.memory_space<hbm>>, %arg4: memref<32x10112xi32, #tpu.memory_space<hbm>>, %arg5: memref<10112xf32, #tpu.memory_space<hbm>>, %arg6: memref<32x10112xf32, #tpu.memory_space<hbm>>, %arg7: memref<10112xf32, #tpu.memory_space<vmem>>, %arg8: memref<10112xf32, #tpu.memory_space<vmem>>, %arg9: memref<10112xi32, #tpu.memory_space<vmem>>, %arg10: memref<10112xi32, #tpu.memory_space<vmem>>) attributes {dimension_semantics = [#tpu.dimension_semantics<core_parallel>, #tpu.dimension_semantics<subcore_parallel>], iteration_bounds = array<i64: 2, 16>, scalar_prefetch = 0 : i64, scratch_operands = 4 : i64, tpu.core_type = #tpu.core_type<sc_vector_subcore>, window_params = [{transform_indices = #map}, {transform_indices = #map1}, {transform_indices = #map1}, {transform_indices = #map}, {transform_indices = #map1}]} {
    %mul3A = arith.constant 16 : i32
    %mul3A_0 = arith.muli %arg0, %mul3A : i32
    %add3A = arith.addi %mul3A_0, %arg1 : i32
    "tpu.region"() ({
      %run_scoped3A = tpu.sem_alloc : memref<!tpu.dma_semaphore, #tpu.memory_space<semaphore_mem>>
      tpu.enqueue_dma source(%arg2 : memref<10112xf32, #tpu.memory_space<hbm>>) target(%arg7 : memref<10112xf32, #tpu.memory_space<vmem>>) target_semaphore(%run_scoped3A : memref<!tpu.dma_semaphore, #tpu.memory_space<semaphore_mem>>)
      tpu.wait_dma2 semaphore(%run_scoped3A : memref<!tpu.dma_semaphore, #tpu.memory_space<semaphore_mem>>) src(%arg2 : memref<10112xf32, #tpu.memory_space<hbm>>) dst(%arg7 : memref<10112xf32, #tpu.memory_space<vmem>>)
      tpu.yield
    }) : () -> ()
    "tpu.region"() ({
      %run_scoped3A = tpu.sem_alloc : memref<!tpu.dma_semaphore, #tpu.memory_space<semaphore_mem>>
      tpu.enqueue_dma source(%arg5 : memref<10112xf32, #tpu.memory_space<hbm>>) target(%arg8 : memref<10112xf32, #tpu.memory_space<vmem>>) target_semaphore(%run_scoped3A : memref<!tpu.dma_semaphore, #tpu.memory_space<semaphore_mem>>)
      tpu.wait_dma2 semaphore(%run_scoped3A : memref<!tpu.dma_semaphore, #tpu.memory_space<semaphore_mem>>) src(%arg5 : memref<10112xf32, #tpu.memory_space<hbm>>) dst(%arg8 : memref<10112xf32, #tpu.memory_space<vmem>>)
      tpu.yield
    }) : () -> ()
    "tpu.region"() ({
      %run_scoped3A = tpu.sem_alloc : memref<!tpu.dma_semaphore, #tpu.memory_space<semaphore_mem>>
      %dma_start3A = arith.constant 0 : i32
      %dma_start3A_6 = tpu.memref_slice %arg3[%add3A, %dma_start3A] : memref<32x10112xi32, #tpu.memory_space<hbm>> -> memref<1x10112xi32, #tpu.memory_space<hbm>>
      %dma_start3A_7 = tpu.memref_squeeze %dma_start3A_6 : memref<1x10112xi32, #tpu.memory_space<hbm>> -> memref<10112xi32, #tpu.memory_space<hbm>>
      %dma_start3A_8 = arith.constant 0 : i32
      %dma_start3A_9 = tpu.memref_slice %arg3[%add3A, %dma_start3A_8] : memref<32x10112xi32, #tpu.memory_space<hbm>> -> memref<1x10112xi32, #tpu.memory_space<hbm>>
      %dma_start3A_10 = tpu.memref_squeeze %dma_start3A_9 : memref<1x10112xi32, #tpu.memory_space<hbm>> -> memref<10112xi32, #tpu.memory_space<hbm>>
      tpu.enqueue_dma source(%dma_start3A_10 : memref<10112xi32, #tpu.memory_space<hbm>>) target(%arg9 : memref<10112xi32, #tpu.memory_space<vmem>>) target_semaphore(%run_scoped3A : memref<!tpu.dma_semaphore, #tpu.memory_space<semaphore_mem>>)
      %dma_wait3A = arith.constant 0 : i32
      %dma_wait3A_11 = tpu.memref_slice %arg3[%add3A, %dma_wait3A] : memref<32x10112xi32, #tpu.memory_space<hbm>> -> memref<1x10112xi32, #tpu.memory_space<hbm>>
      %dma_wait3A_12 = tpu.memref_squeeze %dma_wait3A_11 : memref<1x10112xi32, #tpu.memory_space<hbm>> -> memref<10112xi32, #tpu.memory_space<hbm>>
      %dma_wait3A_13 = arith.constant 0 : i32
      %dma_wait3A_14 = tpu.memref_slice %arg3[%add3A, %dma_wait3A_13] : memref<32x10112xi32, #tpu.memory_space<hbm>> -> memref<1x10112xi32, #tpu.memory_space<hbm>>
      %dma_wait3A_15 = tpu.memref_squeeze %dma_wait3A_14 : memref<1x10112xi32, #tpu.memory_space<hbm>> -> memref<10112xi32, #tpu.memory_space<hbm>>
      tpu.wait_dma2 semaphore(%run_scoped3A : memref<!tpu.dma_semaphore, #tpu.memory_space<semaphore_mem>>) src(%dma_wait3A_15 : memref<10112xi32, #tpu.memory_space<hbm>>) dst(%arg9 : memref<10112xi32, #tpu.memory_space<vmem>>)
      tpu.yield
    }) : () -> ()
    "tpu.region"() ({
      %run_scoped3A = tpu.sem_alloc : memref<!tpu.dma_semaphore, #tpu.memory_space<semaphore_mem>>
      %dma_start3A = arith.constant 0 : i32
      %dma_start3A_6 = tpu.memref_slice %arg4[%add3A, %dma_start3A] : memref<32x10112xi32, #tpu.memory_space<hbm>> -> memref<1x10112xi32, #tpu.memory_space<hbm>>
      %dma_start3A_7 = tpu.memref_squeeze %dma_start3A_6 : memref<1x10112xi32, #tpu.memory_space<hbm>> -> memref<10112xi32, #tpu.memory_space<hbm>>
      %dma_start3A_8 = arith.constant 0 : i32
      %dma_start3A_9 = tpu.memref_slice %arg4[%add3A, %dma_start3A_8] : memref<32x10112xi32, #tpu.memory_space<hbm>> -> memref<1x10112xi32, #tpu.memory_space<hbm>>
      %dma_start3A_10 = tpu.memref_squeeze %dma_start3A_9 : memref<1x10112xi32, #tpu.memory_space<hbm>> -> memref<10112xi32, #tpu.memory_space<hbm>>
      tpu.enqueue_dma source(%dma_start3A_10 : memref<10112xi32, #tpu.memory_space<hbm>>) target(%arg10 : memref<10112xi32, #tpu.memory_space<vmem>>) target_semaphore(%run_scoped3A : memref<!tpu.dma_semaphore, #tpu.memory_space<semaphore_mem>>)
      %dma_wait3A = arith.constant 0 : i32
      %dma_wait3A_11 = tpu.memref_slice %arg4[%add3A, %dma_wait3A] : memref<32x10112xi32, #tpu.memory_space<hbm>> -> memref<1x10112xi32, #tpu.memory_space<hbm>>
      %dma_wait3A_12 = tpu.memref_squeeze %dma_wait3A_11 : memref<1x10112xi32, #tpu.memory_space<hbm>> -> memref<10112xi32, #tpu.memory_space<hbm>>
      %dma_wait3A_13 = arith.constant 0 : i32
      %dma_wait3A_14 = tpu.memref_slice %arg4[%add3A, %dma_wait3A_13] : memref<32x10112xi32, #tpu.memory_space<hbm>> -> memref<1x10112xi32, #tpu.memory_space<hbm>>
      %dma_wait3A_15 = tpu.memref_squeeze %dma_wait3A_14 : memref<1x10112xi32, #tpu.memory_space<hbm>> -> memref<10112xi32, #tpu.memory_space<hbm>>
      tpu.wait_dma2 semaphore(%run_scoped3A : memref<!tpu.dma_semaphore, #tpu.memory_space<semaphore_mem>>) src(%dma_wait3A_15 : memref<10112xi32, #tpu.memory_space<hbm>>) dst(%arg10 : memref<10112xi32, #tpu.memory_space<vmem>>)
      tpu.yield
    }) : () -> ()
    %scan3A = arith.constant 0 : i32
    %scan3A_1 = arith.constant 0 : i32
    %scan3A_2 = arith.constant 632 : i32
    %scan3A_3 = arith.addi %scan3A_1, %scan3A_2 : i32
    %scan3A_4 = arith.constant 1 : i32
    scf.for %scan3A_6 = %scan3A_1 to %scan3A_3 step %scan3A_4  : i32 {
      %mul3A_7 = arith.constant 16 : i32
      %mul3A_8 = arith.muli %scan3A_6, %mul3A_7 : i32
      %get3A = arith.index_cast %mul3A_8 : i32 to index
      %get3A_9 = tpu.vector_load %arg9[%get3A] {strides = array<i32>} : memref<10112xi32, #tpu.memory_space<vmem>>, vector<16xi32>,
      %mul3A_10 = arith.constant 16 : i32
      %mul3A_11 = arith.muli %scan3A_6, %mul3A_10 : i32
      %get3A_12 = arith.index_cast %mul3A_11 : i32 to index
      %get3A_13 = tpu.vector_load %arg10[%get3A_12] {strides = array<i32>} : memref<10112xi32, #tpu.memory_space<vmem>>, vector<16xi32>,
      %gather3A = tpu.vector_load_idx %arg7[%get3A_9] : memref<10112xf32, #tpu.memory_space<vmem>>[vector<16xi32>], vector<16xf32>,
      tpu.vector_store_idx %arg8[%get3A_13], %gather3A {add = true} : memref<10112xf32, #tpu.memory_space<vmem>>[vector<16xi32>], vector<16xf32>,
    }
    %scan3A_5 = arith.constant 632 : i32
    "tpu.region"() ({
      %run_scoped3A = tpu.sem_alloc : memref<!tpu.dma_semaphore, #tpu.memory_space<semaphore_mem>>
      %dma_start3A = arith.constant 0 : i32
      %dma_start3A_6 = tpu.memref_slice %arg6[%add3A, %dma_start3A] : memref<32x10112xf32, #tpu.memory_space<hbm>> -> memref<1x10112xf32, #tpu.memory_space<hbm>>
      %dma_start3A_7 = tpu.memref_squeeze %dma_start3A_6 : memref<1x10112xf32, #tpu.memory_space<hbm>> -> memref<10112xf32, #tpu.memory_space<hbm>>
      %dma_start3A_8 = arith.constant 0 : i32
      %dma_start3A_9 = tpu.memref_slice %arg6[%add3A, %dma_start3A_8] : memref<32x10112xf32, #tpu.memory_space<hbm>> -> memref<1x10112xf32, #tpu.memory_space<hbm>>
      %dma_start3A_10 = tpu.memref_squeeze %dma_start3A_9 : memref<1x10112xf32, #tpu.memory_space<hbm>> -> memref<10112xf32, #tpu.memory_space<hbm>>
      tpu.enqueue_dma source(%arg8 : memref<10112xf32, #tpu.memory_space<vmem>>) target(%dma_start3A_10 : memref<10112xf32, #tpu.memory_space<hbm>>) target_semaphore(%run_scoped3A : memref<!tpu.dma_semaphore, #tpu.memory_space<semaphore_mem>>)
      %dma_wait3A = arith.constant 0 : i32
      %dma_wait3A_11 = tpu.memref_slice %arg6[%add3A, %dma_wait3A] : memref<32x10112xf32, #tpu.memory_space<hbm>> -> memref<1x10112xf32, #tpu.memory_space<hbm>>
      %dma_wait3A_12 = tpu.memref_squeeze %dma_wait3A_11 : memref<1x10112xf32, #tpu.memory_space<hbm>> -> memref<10112xf32, #tpu.memory_space<hbm>>
      %dma_wait3A_13 = arith.constant 0 : i32
      %dma_wait3A_14 = tpu.memref_slice %arg6[%add3A, %dma_wait3A_13] : memref<32x10112xf32, #tpu.memory_space<hbm>> -> memref<1x10112xf32, #tpu.memory_space<hbm>>
      %dma_wait3A_15 = tpu.memref_squeeze %dma_wait3A_14 : memref<1x10112xf32, #tpu.memory_space<hbm>> -> memref<10112xf32, #tpu.memory_space<hbm>>
      tpu.wait_dma2 semaphore(%run_scoped3A : memref<!tpu.dma_semaphore, #tpu.memory_space<semaphore_mem>>) src(%arg8 : memref<10112xf32, #tpu.memory_space<vmem>>) dst(%dma_wait3A_15 : memref<10112xf32, #tpu.memory_space<hbm>>)
      tpu.yield
    }) : () -> ()
    return
  }
}

#map = affine_map<(d0, d1) -> (0, 0)>
#map1 = affine_map<(d0, d1) -> (0, 0, 0)>
module attributes {stable_mosaic.version = 14 : i64} {
  func.func @_edge_scatter(%arg0: i32, %arg1: i32, %arg2: memref<10112x128xf32, #tpu.memory_space<hbm>>, %arg3: memref<32x101x128xi32, #tpu.memory_space<hbm>>, %arg4: memref<32x101x128xi32, #tpu.memory_space<hbm>>, %arg5: memref<632x128xf32, #tpu.memory_space<hbm>>, %arg6: memref<2x10112x128xf32, #tpu.memory_space<hbm>>, %arg7: memref<101x128xi32, #tpu.memory_space<vmem>>, %arg8: memref<101x128xi32, #tpu.memory_space<vmem>>, %arg9: memref<128x128xf32, #tpu.memory_space<vmem>>, %arg10: memref<10112x128xf32, #tpu.memory_space<vmem_shared>>, %arg11: memref<!tpu.dma_semaphore, #tpu.memory_space<semaphore_mem>>) attributes {dimension_semantics = [#tpu.dimension_semantics<core_parallel>, #tpu.dimension_semantics<subcore_parallel>], iteration_bounds = array<i64: 2, 16>, scalar_prefetch = 0 : i64, scratch_operands = 5 : i64, tpu.core_type = #tpu.core_type<sc_vector_subcore>, window_params = [{transform_indices = #map}, {transform_indices = #map1}, {transform_indices = #map1}, {transform_indices = #map}, {transform_indices = #map1}]} {
    %mul3A = arith.constant 16 : i32
    %mul3A_0 = arith.muli %arg0, %mul3A : i32
    %add3A = arith.addi %mul3A_0, %arg1 : i32
    %mul3A_1 = arith.constant 632 : i32
    %mul3A_2 = arith.muli %arg1, %mul3A_1 : i32
    "tpu.region"() ({
      %run_scoped3A = tpu.sem_alloc : memref<!tpu.dma_semaphore, #tpu.memory_space<semaphore_mem>>
      %dma_start3A = arith.constant 0 : i32
      %dma_start3A_15 = tpu.memref_slice %arg10[%mul3A_2, %dma_start3A] : memref<10112x128xf32, #tpu.memory_space<vmem_shared>> -> memref<632x128xf32, #tpu.memory_space<vmem_shared>>
      tpu.enqueue_dma source(%arg5 : memref<632x128xf32, #tpu.memory_space<hbm>>) target(%dma_start3A_15 : memref<632x128xf32, #tpu.memory_space<vmem_shared>>) target_semaphore(%run_scoped3A : memref<!tpu.dma_semaphore, #tpu.memory_space<semaphore_mem>>)
      %dma_wait3A = arith.constant 0 : i32
      %dma_wait3A_16 = tpu.memref_slice %arg10[%mul3A_2, %dma_wait3A] : memref<10112x128xf32, #tpu.memory_space<vmem_shared>> -> memref<632x128xf32, #tpu.memory_space<vmem_shared>>
      tpu.wait_dma2 semaphore(%run_scoped3A : memref<!tpu.dma_semaphore, #tpu.memory_space<semaphore_mem>>) src(%arg5 : memref<632x128xf32, #tpu.memory_space<hbm>>) dst(%dma_wait3A_16 : memref<632x128xf32, #tpu.memory_space<vmem_shared>>)
      tpu.yield
    }) : () -> ()
    "tpu.region"() ({
      %run_scoped3A = tpu.sem_alloc : memref<!tpu.dma_semaphore, #tpu.memory_space<semaphore_mem>>
      %dma_start3A = arith.constant 0 : i32
      %dma_start3A_15 = arith.constant 0 : i32
      %dma_start3A_16 = tpu.memref_slice %arg3[%add3A, %dma_start3A, %dma_start3A_15] : memref<32x101x128xi32, #tpu.memory_space<hbm>> -> memref<1x101x128xi32, #tpu.memory_space<hbm>>
      %dma_start3A_17 = tpu.memref_squeeze %dma_start3A_16 : memref<1x101x128xi32, #tpu.memory_space<hbm>> -> memref<101x128xi32, #tpu.memory_space<hbm>>
      %dma_start3A_18 = arith.constant 0 : i32
      %dma_start3A_19 = arith.constant 0 : i32
      %dma_start3A_20 = tpu.memref_slice %arg3[%add3A, %dma_start3A_18, %dma_start3A_19] : memref<32x101x128xi32, #tpu.memory_space<hbm>> -> memref<1x101x128xi32, #tpu.memory_space<hbm>>
      %dma_start3A_21 = tpu.memref_squeeze %dma_start3A_20 : memref<1x101x128xi32, #tpu.memory_space<hbm>> -> memref<101x128xi32, #tpu.memory_space<hbm>>
      tpu.enqueue_dma source(%dma_start3A_21 : memref<101x128xi32, #tpu.memory_space<hbm>>) target(%arg7 : memref<101x128xi32, #tpu.memory_space<vmem>>) target_semaphore(%run_scoped3A : memref<!tpu.dma_semaphore, #tpu.memory_space<semaphore_mem>>)
      %dma_wait3A = arith.constant 0 : i32
      %dma_wait3A_22 = arith.constant 0 : i32
      %dma_wait3A_23 = tpu.memref_slice %arg3[%add3A, %dma_wait3A, %dma_wait3A_22] : memref<32x101x128xi32, #tpu.memory_space<hbm>> -> memref<1x101x128xi32, #tpu.memory_space<hbm>>
      %dma_wait3A_24 = tpu.memref_squeeze %dma_wait3A_23 : memref<1x101x128xi32, #tpu.memory_space<hbm>> -> memref<101x128xi32, #tpu.memory_space<hbm>>
      %dma_wait3A_25 = arith.constant 0 : i32
      %dma_wait3A_26 = arith.constant 0 : i32
      %dma_wait3A_27 = tpu.memref_slice %arg3[%add3A, %dma_wait3A_25, %dma_wait3A_26] : memref<32x101x128xi32, #tpu.memory_space<hbm>> -> memref<1x101x128xi32, #tpu.memory_space<hbm>>
      %dma_wait3A_28 = tpu.memref_squeeze %dma_wait3A_27 : memref<1x101x128xi32, #tpu.memory_space<hbm>> -> memref<101x128xi32, #tpu.memory_space<hbm>>
      tpu.wait_dma2 semaphore(%run_scoped3A : memref<!tpu.dma_semaphore, #tpu.memory_space<semaphore_mem>>) src(%dma_wait3A_28 : memref<101x128xi32, #tpu.memory_space<hbm>>) dst(%arg7 : memref<101x128xi32, #tpu.memory_space<vmem>>)
      tpu.yield
    }) : () -> ()
    "tpu.region"() ({
      %run_scoped3A = tpu.sem_alloc : memref<!tpu.dma_semaphore, #tpu.memory_space<semaphore_mem>>
      %dma_start3A = arith.constant 0 : i32
      %dma_start3A_15 = arith.constant 0 : i32
      %dma_start3A_16 = tpu.memref_slice %arg4[%add3A, %dma_start3A, %dma_start3A_15] : memref<32x101x128xi32, #tpu.memory_space<hbm>> -> memref<1x101x128xi32, #tpu.memory_space<hbm>>
      %dma_start3A_17 = tpu.memref_squeeze %dma_start3A_16 : memref<1x101x128xi32, #tpu.memory_space<hbm>> -> memref<101x128xi32, #tpu.memory_space<hbm>>
      %dma_start3A_18 = arith.constant 0 : i32
      %dma_start3A_19 = arith.constant 0 : i32
      %dma_start3A_20 = tpu.memref_slice %arg4[%add3A, %dma_start3A_18, %dma_start3A_19] : memref<32x101x128xi32, #tpu.memory_space<hbm>> -> memref<1x101x128xi32, #tpu.memory_space<hbm>>
      %dma_start3A_21 = tpu.memref_squeeze %dma_start3A_20 : memref<1x101x128xi32, #tpu.memory_space<hbm>> -> memref<101x128xi32, #tpu.memory_space<hbm>>
      tpu.enqueue_dma source(%dma_start3A_21 : memref<101x128xi32, #tpu.memory_space<hbm>>) target(%arg8 : memref<101x128xi32, #tpu.memory_space<vmem>>) target_semaphore(%run_scoped3A : memref<!tpu.dma_semaphore, #tpu.memory_space<semaphore_mem>>)
      %dma_wait3A = arith.constant 0 : i32
      %dma_wait3A_22 = arith.constant 0 : i32
      %dma_wait3A_23 = tpu.memref_slice %arg4[%add3A, %dma_wait3A, %dma_wait3A_22] : memref<32x101x128xi32, #tpu.memory_space<hbm>> -> memref<1x101x128xi32, #tpu.memory_space<hbm>>
      %dma_wait3A_24 = tpu.memref_squeeze %dma_wait3A_23 : memref<1x101x128xi32, #tpu.memory_space<hbm>> -> memref<101x128xi32, #tpu.memory_space<hbm>>
      %dma_wait3A_25 = arith.constant 0 : i32
      %dma_wait3A_26 = arith.constant 0 : i32
      %dma_wait3A_27 = tpu.memref_slice %arg4[%add3A, %dma_wait3A_25, %dma_wait3A_26] : memref<32x101x128xi32, #tpu.memory_space<hbm>> -> memref<1x101x128xi32, #tpu.memory_space<hbm>>
      %dma_wait3A_28 = tpu.memref_squeeze %dma_wait3A_27 : memref<1x101x128xi32, #tpu.memory_space<hbm>> -> memref<101x128xi32, #tpu.memory_space<hbm>>
      tpu.wait_dma2 semaphore(%run_scoped3A : memref<!tpu.dma_semaphore, #tpu.memory_space<semaphore_mem>>) src(%dma_wait3A_28 : memref<101x128xi32, #tpu.memory_space<hbm>>) dst(%arg8 : memref<101x128xi32, #tpu.memory_space<vmem>>)
      tpu.yield
    }) : () -> ()
    %barrier3A = arith.constant 0 : index
    tpu.barrier barrier_id(%barrier3A)
    %eq3A = arith.constant 0 : i32
    %eq3A_3 = arith.cmpi eq, %arg0, %eq3A : i32
    %convert_element_type3A = arith.extui %eq3A_3 : i1 to i32
    %cond3A = arith.constant 0 : i32
    %cond3A_4 = arith.cmpi ne, %convert_element_type3A, %cond3A : i32
    scf.if %cond3A_4 {
      %scan3A = arith.constant 0 : i32
      %scan3A_15 = arith.constant 0 : i32
      %scan3A_16 = arith.constant 101 : i32
      %scan3A_17 = arith.addi %scan3A_15, %scan3A_16 : i32
      %scan3A_18 = arith.constant 1 : i32
      scf.for %scan3A_20 = %scan3A_15 to %scan3A_17 step %scan3A_18  : i32 {
        %dma_start3A = arith.constant 0 : i32
        %dma_start3A_21 = tpu.memref_slice %arg7[%scan3A_20, %dma_start3A] : memref<101x128xi32, #tpu.memory_space<vmem>> -> memref<1x128xi32, #tpu.memory_space<vmem>>
        %dma_start3A_22 = tpu.memref_squeeze %dma_start3A_21 : memref<1x128xi32, #tpu.memory_space<vmem>> -> memref<128xi32, #tpu.memory_space<vmem>>
        %dma_start3A_23 = arith.constant 0 : i32
        %dma_start3A_24 = arith.constant 0 : i32
        %dma_start3A_25 = tpu.memref_slice %arg2[%dma_start3A_23, %dma_start3A_24] : memref<10112x128xf32, #tpu.memory_space<hbm>> -> memref<10112x128xf32, #tpu.memory_space<hbm>>
        tpu.enqueue_indirect_dma source(%dma_start3A_25 : memref<10112x128xf32, #tpu.memory_space<hbm>>) target(%arg9 : memref<128x128xf32, #tpu.memory_space<vmem>>) offsets(%dma_start3A_22 : memref<128xi32, #tpu.memory_space<vmem>>) semaphore(%arg11 : memref<!tpu.dma_semaphore, #tpu.memory_space<semaphore_mem>>)
        %dma_wait3A = arith.constant 0 : i32
        %dma_wait3A_26 = tpu.memref_slice %arg7[%scan3A_20, %dma_wait3A] : memref<101x128xi32, #tpu.memory_space<vmem>> -> memref<1x128xi32, #tpu.memory_space<vmem>>
        %dma_wait3A_27 = tpu.memref_squeeze %dma_wait3A_26 : memref<1x128xi32, #tpu.memory_space<vmem>> -> memref<128xi32, #tpu.memory_space<vmem>>
        %dma_wait3A_28 = arith.constant 0 : i32
        %dma_wait3A_29 = arith.constant 0 : i32
        %dma_wait3A_30 = tpu.memref_slice %arg2[%dma_wait3A_28, %dma_wait3A_29] : memref<10112x128xf32, #tpu.memory_space<hbm>> -> memref<10112x128xf32, #tpu.memory_space<hbm>>
        tpu.wait_indirect_dma semaphore(%arg11 : memref<!tpu.dma_semaphore, #tpu.memory_space<semaphore_mem>>) src(%dma_wait3A_30 : memref<10112x128xf32, #tpu.memory_space<hbm>>) dst(%arg9 : memref<128x128xf32, #tpu.memory_space<vmem>>)
        "tpu.region"() ({
          %run_scoped3A = tpu.sem_alloc : memref<!tpu.dma_semaphore, #tpu.memory_space<semaphore_mem>>
          %dma_start3A_31 = arith.constant 0 : i32
          %dma_start3A_32 = tpu.memref_slice %arg8[%scan3A_20, %dma_start3A_31] : memref<101x128xi32, #tpu.memory_space<vmem>> -> memref<1x128xi32, #tpu.memory_space<vmem>>
          %dma_start3A_33 = tpu.memref_squeeze %dma_start3A_32 : memref<1x128xi32, #tpu.memory_space<vmem>> -> memref<128xi32, #tpu.memory_space<vmem>>
          %dma_start3A_34 = arith.constant 0 : i32
          %dma_start3A_35 = arith.constant 0 : i32
          %dma_start3A_36 = tpu.memref_slice %arg10[%dma_start3A_34, %dma_start3A_35] : memref<10112x128xf32, #tpu.memory_space<vmem_shared>> -> memref<10112x128xf32, #tpu.memory_space<vmem_shared>>
          tpu.enqueue_indirect_dma source(%arg9 : memref<128x128xf32, #tpu.memory_space<vmem>>) target(%dma_start3A_36 : memref<10112x128xf32, #tpu.memory_space<vmem_shared>>) offsets(%dma_start3A_33 : memref<128xi32, #tpu.memory_space<vmem>>) semaphore(%run_scoped3A : memref<!tpu.dma_semaphore, #tpu.memory_space<semaphore_mem>>) {add = true}
          %dma_wait3A_37 = arith.constant 0 : i32
          %dma_wait3A_38 = tpu.memref_slice %arg8[%scan3A_20, %dma_wait3A_37] : memref<101x128xi32, #tpu.memory_space<vmem>> -> memref<1x128xi32, #tpu.memory_space<vmem>>
          %dma_wait3A_39 = tpu.memref_squeeze %dma_wait3A_38 : memref<1x128xi32, #tpu.memory_space<vmem>> -> memref<128xi32, #tpu.memory_space<vmem>>
          %dma_wait3A_40 = arith.constant 0 : i32
          %dma_wait3A_41 = arith.constant 0 : i32
          %dma_wait3A_42 = tpu.memref_slice %arg10[%dma_wait3A_40, %dma_wait3A_41] : memref<10112x128xf32, #tpu.memory_space<vmem_shared>> -> memref<10112x128xf32, #tpu.memory_space<vmem_shared>>
          tpu.wait_indirect_dma semaphore(%run_scoped3A : memref<!tpu.dma_semaphore, #tpu.memory_space<semaphore_mem>>) src(%arg9 : memref<128x128xf32, #tpu.memory_space<vmem>>) dst(%dma_wait3A_42 : memref<10112x128xf32, #tpu.memory_space<vmem_shared>>)
          tpu.yield
        }) : () -> ()
      }
      %scan3A_19 = arith.constant 101 : i32
    } else {
    }
    %eq3A_5 = arith.constant 1 : i32
    %eq3A_6 = arith.cmpi eq, %arg0, %eq3A_5 : i32
    %convert_element_type3A_7 = arith.extui %eq3A_6 : i1 to i32
    %cond3A_8 = arith.constant 0 : i32
    %cond3A_9 = arith.cmpi ne, %convert_element_type3A_7, %cond3A_8 : i32
    scf.if %cond3A_9 {
      %scan3A = arith.constant 0 : i32
      %scan3A_15 = arith.constant 0 : i32
      %scan3A_16 = arith.constant 56 : i32
      %scan3A_17 = arith.addi %scan3A_15, %scan3A_16 : i32
      %scan3A_18 = arith.constant 1 : i32
      scf.for %scan3A_20 = %scan3A_15 to %scan3A_17 step %scan3A_18  : i32 {
        %dma_start3A = arith.constant 0 : i32
        %dma_start3A_21 = tpu.memref_slice %arg7[%scan3A_20, %dma_start3A] : memref<101x128xi32, #tpu.memory_space<vmem>> -> memref<1x128xi32, #tpu.memory_space<vmem>>
        %dma_start3A_22 = tpu.memref_squeeze %dma_start3A_21 : memref<1x128xi32, #tpu.memory_space<vmem>> -> memref<128xi32, #tpu.memory_space<vmem>>
        %dma_start3A_23 = arith.constant 0 : i32
        %dma_start3A_24 = arith.constant 0 : i32
        %dma_start3A_25 = tpu.memref_slice %arg2[%dma_start3A_23, %dma_start3A_24] : memref<10112x128xf32, #tpu.memory_space<hbm>> -> memref<10112x128xf32, #tpu.memory_space<hbm>>
        tpu.enqueue_indirect_dma source(%dma_start3A_25 : memref<10112x128xf32, #tpu.memory_space<hbm>>) target(%arg9 : memref<128x128xf32, #tpu.memory_space<vmem>>) offsets(%dma_start3A_22 : memref<128xi32, #tpu.memory_space<vmem>>) semaphore(%arg11 : memref<!tpu.dma_semaphore, #tpu.memory_space<semaphore_mem>>)
        %dma_wait3A = arith.constant 0 : i32
        %dma_wait3A_26 = tpu.memref_slice %arg7[%scan3A_20, %dma_wait3A] : memref<101x128xi32, #tpu.memory_space<vmem>> -> memref<1x128xi32, #tpu.memory_space<vmem>>
        %dma_wait3A_27 = tpu.memref_squeeze %dma_wait3A_26 : memref<1x128xi32, #tpu.memory_space<vmem>> -> memref<128xi32, #tpu.memory_space<vmem>>
        %dma_wait3A_28 = arith.constant 0 : i32
        %dma_wait3A_29 = arith.constant 0 : i32
        %dma_wait3A_30 = tpu.memref_slice %arg2[%dma_wait3A_28, %dma_wait3A_29] : memref<10112x128xf32, #tpu.memory_space<hbm>> -> memref<10112x128xf32, #tpu.memory_space<hbm>>
        tpu.wait_indirect_dma semaphore(%arg11 : memref<!tpu.dma_semaphore, #tpu.memory_space<semaphore_mem>>) src(%dma_wait3A_30 : memref<10112x128xf32, #tpu.memory_space<hbm>>) dst(%arg9 : memref<128x128xf32, #tpu.memory_space<vmem>>)
        "tpu.region"() ({
          %run_scoped3A = tpu.sem_alloc : memref<!tpu.dma_semaphore, #tpu.memory_space<semaphore_mem>>
          %dma_start3A_31 = arith.constant 0 : i32
          %dma_start3A_32 = tpu.memref_slice %arg8[%scan3A_20, %dma_start3A_31] : memref<101x128xi32, #tpu.memory_space<vmem>> -> memref<1x128xi32, #tpu.memory_space<vmem>>
          %dma_start3A_33 = tpu.memref_squeeze %dma_start3A_32 : memref<1x128xi32, #tpu.memory_space<vmem>> -> memref<128xi32, #tpu.memory_space<vmem>>
          %dma_start3A_34 = arith.constant 0 : i32
          %dma_start3A_35 = arith.constant 0 : i32
          %dma_start3A_36 = tpu.memref_slice %arg10[%dma_start3A_34, %dma_start3A_35] : memref<10112x128xf32, #tpu.memory_space<vmem_shared>> -> memref<10112x128xf32, #tpu.memory_space<vmem_shared>>
          tpu.enqueue_indirect_dma source(%arg9 : memref<128x128xf32, #tpu.memory_space<vmem>>) target(%dma_start3A_36 : memref<10112x128xf32, #tpu.memory_space<vmem_shared>>) offsets(%dma_start3A_33 : memref<128xi32, #tpu.memory_space<vmem>>) semaphore(%run_scoped3A : memref<!tpu.dma_semaphore, #tpu.memory_space<semaphore_mem>>) {add = true}
          %dma_wait3A_37 = arith.constant 0 : i32
          %dma_wait3A_38 = tpu.memref_slice %arg8[%scan3A_20, %dma_wait3A_37] : memref<101x128xi32, #tpu.memory_space<vmem>> -> memref<1x128xi32, #tpu.memory_space<vmem>>
          %dma_wait3A_39 = tpu.memref_squeeze %dma_wait3A_38 : memref<1x128xi32, #tpu.memory_space<vmem>> -> memref<128xi32, #tpu.memory_space<vmem>>
          %dma_wait3A_40 = arith.constant 0 : i32
          %dma_wait3A_41 = arith.constant 0 : i32
          %dma_wait3A_42 = tpu.memref_slice %arg10[%dma_wait3A_40, %dma_wait3A_41] : memref<10112x128xf32, #tpu.memory_space<vmem_shared>> -> memref<10112x128xf32, #tpu.memory_space<vmem_shared>>
          tpu.wait_indirect_dma semaphore(%run_scoped3A : memref<!tpu.dma_semaphore, #tpu.memory_space<semaphore_mem>>) src(%arg9 : memref<128x128xf32, #tpu.memory_space<vmem>>) dst(%dma_wait3A_42 : memref<10112x128xf32, #tpu.memory_space<vmem_shared>>)
          tpu.yield
        }) : () -> ()
      }
      %scan3A_19 = arith.constant 56 : i32
    } else {
    }
    %barrier3A_10 = arith.constant 0 : index
    tpu.barrier barrier_id(%barrier3A_10)
    %mul3A_11 = arith.constant 632 : i32
    %mul3A_12 = arith.muli %arg1, %mul3A_11 : i32
    %mul3A_13 = arith.constant 632 : i32
    %mul3A_14 = arith.muli %arg1, %mul3A_13 : i32
    "tpu.region"() ({
      %run_scoped3A = tpu.sem_alloc : memref<!tpu.dma_semaphore, #tpu.memory_space<semaphore_mem>>
      %dma_start3A = arith.constant 0 : i32
      %dma_start3A_15 = tpu.memref_slice %arg6[%arg0, %mul3A_14, %dma_start3A] : memref<2x10112x128xf32, #tpu.memory_space<hbm>> -> memref<1x632x128xf32, #tpu.memory_space<hbm>>
      %dma_start3A_16 = tpu.memref_squeeze %dma_start3A_15 : memref<1x632x128xf32, #tpu.memory_space<hbm>> -> memref<632x128xf32, #tpu.memory_space<hbm>>
      %dma_start3A_17 = arith.constant 0 : i32
      %dma_start3A_18 = tpu.memref_slice %arg10[%mul3A_12, %dma_start3A_17] : memref<10112x128xf32, #tpu.memory_space<vmem_shared>> -> memref<632x128xf32, #tpu.memory_space<vmem_shared>>
      tpu.enqueue_dma source(%dma_start3A_18 : memref<632x128xf32, #tpu.memory_space<vmem_shared>>) target(%dma_start3A_16 : memref<632x128xf32, #tpu.memory_space<hbm>>) target_semaphore(%run_scoped3A : memref<!tpu.dma_semaphore, #tpu.memory_space<semaphore_mem>>)
      %dma_wait3A = arith.constant 0 : i32
      %dma_wait3A_19 = tpu.memref_slice %arg6[%arg0, %mul3A_14, %dma_wait3A] : memref<2x10112x128xf32, #tpu.memory_space<hbm>> -> memref<1x632x128xf32, #tpu.memory_space<hbm>>
      %dma_wait3A_20 = tpu.memref_squeeze %dma_wait3A_19 : memref<1x632x128xf32, #tpu.memory_space<hbm>> -> memref<632x128xf32, #tpu.memory_space<hbm>>
      %dma_wait3A_21 = arith.constant 0 : i32
      %dma_wait3A_22 = tpu.memref_slice %arg10[%mul3A_12, %dma_wait3A_21] : memref<10112x128xf32, #tpu.memory_space<vmem_shared>> -> memref<632x128xf32, #tpu.memory_space<vmem_shared>>
      tpu.wait_dma2 semaphore(%run_scoped3A : memref<!tpu.dma_semaphore, #tpu.memory_space<semaphore_mem>>) src(%dma_wait3A_22 : memref<632x128xf32, #tpu.memory_space<vmem_shared>>) dst(%dma_wait3A_20 : memref<632x128xf32, #tpu.memory_space<hbm>>)
      tpu.yield
    }) : () -> ()
    return
  }
}

#map = affine_map<(d0, d1) -> (0, 0)>
#map1 = affine_map<(d0, d1) -> (0, 0, 0)>
module attributes {stable_mosaic.version = 14 : i64} {
  func.func @_edge_scatter(%arg0: i32, %arg1: i32, %arg2: memref<10112x128xf32, #tpu.memory_space<hbm>>, %arg3: memref<32x101x128xi32, #tpu.memory_space<hbm>>, %arg4: memref<32x101x128xi32, #tpu.memory_space<hbm>>, %arg5: memref<632x128xf32, #tpu.memory_space<hbm>>, %arg6: memref<2x10112x128xf32, #tpu.memory_space<hbm>>, %arg7: memref<101x128xi32, #tpu.memory_space<vmem>>, %arg8: memref<101x128xi32, #tpu.memory_space<vmem>>, %arg9: memref<128x128xf32, #tpu.memory_space<vmem>>, %arg10: memref<10112x128xf32, #tpu.memory_space<vmem_shared>>, %arg11: memref<!tpu.dma_semaphore, #tpu.memory_space<semaphore_mem>>) attributes {dimension_semantics = [#tpu.dimension_semantics<core_parallel>, #tpu.dimension_semantics<subcore_parallel>], iteration_bounds = array<i64: 2, 16>, scalar_prefetch = 0 : i64, scratch_operands = 5 : i64, tpu.core_type = #tpu.core_type<sc_vector_subcore>, window_params = [{transform_indices = #map}, {transform_indices = #map1}, {transform_indices = #map1}, {transform_indices = #map}, {transform_indices = #map1}]} {
    %mul3A = arith.constant 16 : i32
    %mul3A_0 = arith.muli %arg0, %mul3A : i32
    %add3A = arith.addi %mul3A_0, %arg1 : i32
    %mul3A_1 = arith.constant 632 : i32
    %mul3A_2 = arith.muli %arg1, %mul3A_1 : i32
    "tpu.region"() ({
      %run_scoped3A = tpu.sem_alloc : memref<!tpu.dma_semaphore, #tpu.memory_space<semaphore_mem>>
      %dma_start3A = arith.constant 0 : i32
      %dma_start3A_15 = tpu.memref_slice %arg10[%mul3A_2, %dma_start3A] : memref<10112x128xf32, #tpu.memory_space<vmem_shared>> -> memref<632x128xf32, #tpu.memory_space<vmem_shared>>
      tpu.enqueue_dma source(%arg5 : memref<632x128xf32, #tpu.memory_space<hbm>>) target(%dma_start3A_15 : memref<632x128xf32, #tpu.memory_space<vmem_shared>>) target_semaphore(%run_scoped3A : memref<!tpu.dma_semaphore, #tpu.memory_space<semaphore_mem>>)
      %dma_wait3A = arith.constant 0 : i32
      %dma_wait3A_16 = tpu.memref_slice %arg10[%mul3A_2, %dma_wait3A] : memref<10112x128xf32, #tpu.memory_space<vmem_shared>> -> memref<632x128xf32, #tpu.memory_space<vmem_shared>>
      tpu.wait_dma2 semaphore(%run_scoped3A : memref<!tpu.dma_semaphore, #tpu.memory_space<semaphore_mem>>) src(%arg5 : memref<632x128xf32, #tpu.memory_space<hbm>>) dst(%dma_wait3A_16 : memref<632x128xf32, #tpu.memory_space<vmem_shared>>)
      tpu.yield
    }) : () -> ()
    "tpu.region"() ({
      %run_scoped3A = tpu.sem_alloc : memref<!tpu.dma_semaphore, #tpu.memory_space<semaphore_mem>>
      %dma_start3A = arith.constant 0 : i32
      %dma_start3A_15 = arith.constant 0 : i32
      %dma_start3A_16 = tpu.memref_slice %arg3[%add3A, %dma_start3A, %dma_start3A_15] : memref<32x101x128xi32, #tpu.memory_space<hbm>> -> memref<1x101x128xi32, #tpu.memory_space<hbm>>
      %dma_start3A_17 = tpu.memref_squeeze %dma_start3A_16 : memref<1x101x128xi32, #tpu.memory_space<hbm>> -> memref<101x128xi32, #tpu.memory_space<hbm>>
      %dma_start3A_18 = arith.constant 0 : i32
      %dma_start3A_19 = arith.constant 0 : i32
      %dma_start3A_20 = tpu.memref_slice %arg3[%add3A, %dma_start3A_18, %dma_start3A_19] : memref<32x101x128xi32, #tpu.memory_space<hbm>> -> memref<1x101x128xi32, #tpu.memory_space<hbm>>
      %dma_start3A_21 = tpu.memref_squeeze %dma_start3A_20 : memref<1x101x128xi32, #tpu.memory_space<hbm>> -> memref<101x128xi32, #tpu.memory_space<hbm>>
      tpu.enqueue_dma source(%dma_start3A_21 : memref<101x128xi32, #tpu.memory_space<hbm>>) target(%arg7 : memref<101x128xi32, #tpu.memory_space<vmem>>) target_semaphore(%run_scoped3A : memref<!tpu.dma_semaphore, #tpu.memory_space<semaphore_mem>>)
      %dma_wait3A = arith.constant 0 : i32
      %dma_wait3A_22 = arith.constant 0 : i32
      %dma_wait3A_23 = tpu.memref_slice %arg3[%add3A, %dma_wait3A, %dma_wait3A_22] : memref<32x101x128xi32, #tpu.memory_space<hbm>> -> memref<1x101x128xi32, #tpu.memory_space<hbm>>
      %dma_wait3A_24 = tpu.memref_squeeze %dma_wait3A_23 : memref<1x101x128xi32, #tpu.memory_space<hbm>> -> memref<101x128xi32, #tpu.memory_space<hbm>>
      %dma_wait3A_25 = arith.constant 0 : i32
      %dma_wait3A_26 = arith.constant 0 : i32
      %dma_wait3A_27 = tpu.memref_slice %arg3[%add3A, %dma_wait3A_25, %dma_wait3A_26] : memref<32x101x128xi32, #tpu.memory_space<hbm>> -> memref<1x101x128xi32, #tpu.memory_space<hbm>>
      %dma_wait3A_28 = tpu.memref_squeeze %dma_wait3A_27 : memref<1x101x128xi32, #tpu.memory_space<hbm>> -> memref<101x128xi32, #tpu.memory_space<hbm>>
      tpu.wait_dma2 semaphore(%run_scoped3A : memref<!tpu.dma_semaphore, #tpu.memory_space<semaphore_mem>>) src(%dma_wait3A_28 : memref<101x128xi32, #tpu.memory_space<hbm>>) dst(%arg7 : memref<101x128xi32, #tpu.memory_space<vmem>>)
      tpu.yield
    }) : () -> ()
    "tpu.region"() ({
      %run_scoped3A = tpu.sem_alloc : memref<!tpu.dma_semaphore, #tpu.memory_space<semaphore_mem>>
      %dma_start3A = arith.constant 0 : i32
      %dma_start3A_15 = arith.constant 0 : i32
      %dma_start3A_16 = tpu.memref_slice %arg4[%add3A, %dma_start3A, %dma_start3A_15] : memref<32x101x128xi32, #tpu.memory_space<hbm>> -> memref<1x101x128xi32, #tpu.memory_space<hbm>>
      %dma_start3A_17 = tpu.memref_squeeze %dma_start3A_16 : memref<1x101x128xi32, #tpu.memory_space<hbm>> -> memref<101x128xi32, #tpu.memory_space<hbm>>
      %dma_start3A_18 = arith.constant 0 : i32
      %dma_start3A_19 = arith.constant 0 : i32
      %dma_start3A_20 = tpu.memref_slice %arg4[%add3A, %dma_start3A_18, %dma_start3A_19] : memref<32x101x128xi32, #tpu.memory_space<hbm>> -> memref<1x101x128xi32, #tpu.memory_space<hbm>>
      %dma_start3A_21 = tpu.memref_squeeze %dma_start3A_20 : memref<1x101x128xi32, #tpu.memory_space<hbm>> -> memref<101x128xi32, #tpu.memory_space<hbm>>
      tpu.enqueue_dma source(%dma_start3A_21 : memref<101x128xi32, #tpu.memory_space<hbm>>) target(%arg8 : memref<101x128xi32, #tpu.memory_space<vmem>>) target_semaphore(%run_scoped3A : memref<!tpu.dma_semaphore, #tpu.memory_space<semaphore_mem>>)
      %dma_wait3A = arith.constant 0 : i32
      %dma_wait3A_22 = arith.constant 0 : i32
      %dma_wait3A_23 = tpu.memref_slice %arg4[%add3A, %dma_wait3A, %dma_wait3A_22] : memref<32x101x128xi32, #tpu.memory_space<hbm>> -> memref<1x101x128xi32, #tpu.memory_space<hbm>>
      %dma_wait3A_24 = tpu.memref_squeeze %dma_wait3A_23 : memref<1x101x128xi32, #tpu.memory_space<hbm>> -> memref<101x128xi32, #tpu.memory_space<hbm>>
      %dma_wait3A_25 = arith.constant 0 : i32
      %dma_wait3A_26 = arith.constant 0 : i32
      %dma_wait3A_27 = tpu.memref_slice %arg4[%add3A, %dma_wait3A_25, %dma_wait3A_26] : memref<32x101x128xi32, #tpu.memory_space<hbm>> -> memref<1x101x128xi32, #tpu.memory_space<hbm>>
      %dma_wait3A_28 = tpu.memref_squeeze %dma_wait3A_27 : memref<1x101x128xi32, #tpu.memory_space<hbm>> -> memref<101x128xi32, #tpu.memory_space<hbm>>
      tpu.wait_dma2 semaphore(%run_scoped3A : memref<!tpu.dma_semaphore, #tpu.memory_space<semaphore_mem>>) src(%dma_wait3A_28 : memref<101x128xi32, #tpu.memory_space<hbm>>) dst(%arg8 : memref<101x128xi32, #tpu.memory_space<vmem>>)
      tpu.yield
    }) : () -> ()
    %barrier3A = arith.constant 0 : index
    tpu.barrier barrier_id(%barrier3A)
    %eq3A = arith.constant 0 : i32
    %eq3A_3 = arith.cmpi eq, %arg0, %eq3A : i32
    %convert_element_type3A = arith.extui %eq3A_3 : i1 to i32
    %cond3A = arith.constant 0 : i32
    %cond3A_4 = arith.cmpi ne, %convert_element_type3A, %cond3A : i32
    scf.if %cond3A_4 {
      %scan3A = arith.constant 0 : i32
      %scan3A_15 = arith.constant 0 : i32
      %scan3A_16 = arith.constant 101 : i32
      %scan3A_17 = arith.addi %scan3A_15, %scan3A_16 : i32
      %scan3A_18 = arith.constant 1 : i32
      scf.for %scan3A_20 = %scan3A_15 to %scan3A_17 step %scan3A_18  : i32 {
        %dma_start3A = arith.constant 0 : i32
        %dma_start3A_21 = tpu.memref_slice %arg7[%scan3A_20, %dma_start3A] : memref<101x128xi32, #tpu.memory_space<vmem>> -> memref<1x128xi32, #tpu.memory_space<vmem>>
        %dma_start3A_22 = tpu.memref_squeeze %dma_start3A_21 : memref<1x128xi32, #tpu.memory_space<vmem>> -> memref<128xi32, #tpu.memory_space<vmem>>
        %dma_start3A_23 = arith.constant 0 : i32
        %dma_start3A_24 = arith.constant 0 : i32
        %dma_start3A_25 = tpu.memref_slice %arg2[%dma_start3A_23, %dma_start3A_24] : memref<10112x128xf32, #tpu.memory_space<hbm>> -> memref<10112x128xf32, #tpu.memory_space<hbm>>
        tpu.enqueue_indirect_dma source(%dma_start3A_25 : memref<10112x128xf32, #tpu.memory_space<hbm>>) target(%arg9 : memref<128x128xf32, #tpu.memory_space<vmem>>) offsets(%dma_start3A_22 : memref<128xi32, #tpu.memory_space<vmem>>) semaphore(%arg11 : memref<!tpu.dma_semaphore, #tpu.memory_space<semaphore_mem>>)
        %dma_wait3A = arith.constant 0 : i32
        %dma_wait3A_26 = tpu.memref_slice %arg7[%scan3A_20, %dma_wait3A] : memref<101x128xi32, #tpu.memory_space<vmem>> -> memref<1x128xi32, #tpu.memory_space<vmem>>
        %dma_wait3A_27 = tpu.memref_squeeze %dma_wait3A_26 : memref<1x128xi32, #tpu.memory_space<vmem>> -> memref<128xi32, #tpu.memory_space<vmem>>
        %dma_wait3A_28 = arith.constant 0 : i32
        %dma_wait3A_29 = arith.constant 0 : i32
        %dma_wait3A_30 = tpu.memref_slice %arg2[%dma_wait3A_28, %dma_wait3A_29] : memref<10112x128xf32, #tpu.memory_space<hbm>> -> memref<10112x128xf32, #tpu.memory_space<hbm>>
        tpu.wait_indirect_dma semaphore(%arg11 : memref<!tpu.dma_semaphore, #tpu.memory_space<semaphore_mem>>) src(%dma_wait3A_30 : memref<10112x128xf32, #tpu.memory_space<hbm>>) dst(%arg9 : memref<128x128xf32, #tpu.memory_space<vmem>>)
        "tpu.region"() ({
          %run_scoped3A = tpu.sem_alloc : memref<!tpu.dma_semaphore, #tpu.memory_space<semaphore_mem>>
          %dma_start3A_31 = arith.constant 0 : i32
          %dma_start3A_32 = tpu.memref_slice %arg8[%scan3A_20, %dma_start3A_31] : memref<101x128xi32, #tpu.memory_space<vmem>> -> memref<1x128xi32, #tpu.memory_space<vmem>>
          %dma_start3A_33 = tpu.memref_squeeze %dma_start3A_32 : memref<1x128xi32, #tpu.memory_space<vmem>> -> memref<128xi32, #tpu.memory_space<vmem>>
          %dma_start3A_34 = arith.constant 0 : i32
          %dma_start3A_35 = arith.constant 0 : i32
          %dma_start3A_36 = tpu.memref_slice %arg10[%dma_start3A_34, %dma_start3A_35] : memref<10112x128xf32, #tpu.memory_space<vmem_shared>> -> memref<10112x128xf32, #tpu.memory_space<vmem_shared>>
          tpu.enqueue_indirect_dma source(%arg9 : memref<128x128xf32, #tpu.memory_space<vmem>>) target(%dma_start3A_36 : memref<10112x128xf32, #tpu.memory_space<vmem_shared>>) offsets(%dma_start3A_33 : memref<128xi32, #tpu.memory_space<vmem>>) semaphore(%run_scoped3A : memref<!tpu.dma_semaphore, #tpu.memory_space<semaphore_mem>>) {add = true}
          %dma_wait3A_37 = arith.constant 0 : i32
          %dma_wait3A_38 = tpu.memref_slice %arg8[%scan3A_20, %dma_wait3A_37] : memref<101x128xi32, #tpu.memory_space<vmem>> -> memref<1x128xi32, #tpu.memory_space<vmem>>
          %dma_wait3A_39 = tpu.memref_squeeze %dma_wait3A_38 : memref<1x128xi32, #tpu.memory_space<vmem>> -> memref<128xi32, #tpu.memory_space<vmem>>
          %dma_wait3A_40 = arith.constant 0 : i32
          %dma_wait3A_41 = arith.constant 0 : i32
          %dma_wait3A_42 = tpu.memref_slice %arg10[%dma_wait3A_40, %dma_wait3A_41] : memref<10112x128xf32, #tpu.memory_space<vmem_shared>> -> memref<10112x128xf32, #tpu.memory_space<vmem_shared>>
          tpu.wait_indirect_dma semaphore(%run_scoped3A : memref<!tpu.dma_semaphore, #tpu.memory_space<semaphore_mem>>) src(%arg9 : memref<128x128xf32, #tpu.memory_space<vmem>>) dst(%dma_wait3A_42 : memref<10112x128xf32, #tpu.memory_space<vmem_shared>>)
          tpu.yield
        }) : () -> ()
      }
      %scan3A_19 = arith.constant 101 : i32
    } else {
    }
    %eq3A_5 = arith.constant 1 : i32
    %eq3A_6 = arith.cmpi eq, %arg0, %eq3A_5 : i32
    %convert_element_type3A_7 = arith.extui %eq3A_6 : i1 to i32
    %cond3A_8 = arith.constant 0 : i32
    %cond3A_9 = arith.cmpi ne, %convert_element_type3A_7, %cond3A_8 : i32
    scf.if %cond3A_9 {
      %scan3A = arith.constant 0 : i32
      %scan3A_15 = arith.constant 0 : i32
      %scan3A_16 = arith.constant 56 : i32
      %scan3A_17 = arith.addi %scan3A_15, %scan3A_16 : i32
      %scan3A_18 = arith.constant 1 : i32
      scf.for %scan3A_20 = %scan3A_15 to %scan3A_17 step %scan3A_18  : i32 {
        %dma_start3A = arith.constant 0 : i32
        %dma_start3A_21 = tpu.memref_slice %arg7[%scan3A_20, %dma_start3A] : memref<101x128xi32, #tpu.memory_space<vmem>> -> memref<1x128xi32, #tpu.memory_space<vmem>>
        %dma_start3A_22 = tpu.memref_squeeze %dma_start3A_21 : memref<1x128xi32, #tpu.memory_space<vmem>> -> memref<128xi32, #tpu.memory_space<vmem>>
        %dma_start3A_23 = arith.constant 0 : i32
        %dma_start3A_24 = arith.constant 0 : i32
        %dma_start3A_25 = tpu.memref_slice %arg2[%dma_start3A_23, %dma_start3A_24] : memref<10112x128xf32, #tpu.memory_space<hbm>> -> memref<10112x128xf32, #tpu.memory_space<hbm>>
        tpu.enqueue_indirect_dma source(%dma_start3A_25 : memref<10112x128xf32, #tpu.memory_space<hbm>>) target(%arg9 : memref<128x128xf32, #tpu.memory_space<vmem>>) offsets(%dma_start3A_22 : memref<128xi32, #tpu.memory_space<vmem>>) semaphore(%arg11 : memref<!tpu.dma_semaphore, #tpu.memory_space<semaphore_mem>>)
        %dma_wait3A = arith.constant 0 : i32
        %dma_wait3A_26 = tpu.memref_slice %arg7[%scan3A_20, %dma_wait3A] : memref<101x128xi32, #tpu.memory_space<vmem>> -> memref<1x128xi32, #tpu.memory_space<vmem>>
        %dma_wait3A_27 = tpu.memref_squeeze %dma_wait3A_26 : memref<1x128xi32, #tpu.memory_space<vmem>> -> memref<128xi32, #tpu.memory_space<vmem>>
        %dma_wait3A_28 = arith.constant 0 : i32
        %dma_wait3A_29 = arith.constant 0 : i32
        %dma_wait3A_30 = tpu.memref_slice %arg2[%dma_wait3A_28, %dma_wait3A_29] : memref<10112x128xf32, #tpu.memory_space<hbm>> -> memref<10112x128xf32, #tpu.memory_space<hbm>>
        tpu.wait_indirect_dma semaphore(%arg11 : memref<!tpu.dma_semaphore, #tpu.memory_space<semaphore_mem>>) src(%dma_wait3A_30 : memref<10112x128xf32, #tpu.memory_space<hbm>>) dst(%arg9 : memref<128x128xf32, #tpu.memory_space<vmem>>)
        "tpu.region"() ({
          %run_scoped3A = tpu.sem_alloc : memref<!tpu.dma_semaphore, #tpu.memory_space<semaphore_mem>>
          %dma_start3A_31 = arith.constant 0 : i32
          %dma_start3A_32 = tpu.memref_slice %arg8[%scan3A_20, %dma_start3A_31] : memref<101x128xi32, #tpu.memory_space<vmem>> -> memref<1x128xi32, #tpu.memory_space<vmem>>
          %dma_start3A_33 = tpu.memref_squeeze %dma_start3A_32 : memref<1x128xi32, #tpu.memory_space<vmem>> -> memref<128xi32, #tpu.memory_space<vmem>>
          %dma_start3A_34 = arith.constant 0 : i32
          %dma_start3A_35 = arith.constant 0 : i32
          %dma_start3A_36 = tpu.memref_slice %arg10[%dma_start3A_34, %dma_start3A_35] : memref<10112x128xf32, #tpu.memory_space<vmem_shared>> -> memref<10112x128xf32, #tpu.memory_space<vmem_shared>>
          tpu.enqueue_indirect_dma source(%arg9 : memref<128x128xf32, #tpu.memory_space<vmem>>) target(%dma_start3A_36 : memref<10112x128xf32, #tpu.memory_space<vmem_shared>>) offsets(%dma_start3A_33 : memref<128xi32, #tpu.memory_space<vmem>>) semaphore(%run_scoped3A : memref<!tpu.dma_semaphore, #tpu.memory_space<semaphore_mem>>) {add = true}
          %dma_wait3A_37 = arith.constant 0 : i32
          %dma_wait3A_38 = tpu.memref_slice %arg8[%scan3A_20, %dma_wait3A_37] : memref<101x128xi32, #tpu.memory_space<vmem>> -> memref<1x128xi32, #tpu.memory_space<vmem>>
          %dma_wait3A_39 = tpu.memref_squeeze %dma_wait3A_38 : memref<1x128xi32, #tpu.memory_space<vmem>> -> memref<128xi32, #tpu.memory_space<vmem>>
          %dma_wait3A_40 = arith.constant 0 : i32
          %dma_wait3A_41 = arith.constant 0 : i32
          %dma_wait3A_42 = tpu.memref_slice %arg10[%dma_wait3A_40, %dma_wait3A_41] : memref<10112x128xf32, #tpu.memory_space<vmem_shared>> -> memref<10112x128xf32, #tpu.memory_space<vmem_shared>>
          tpu.wait_indirect_dma semaphore(%run_scoped3A : memref<!tpu.dma_semaphore, #tpu.memory_space<semaphore_mem>>) src(%arg9 : memref<128x128xf32, #tpu.memory_space<vmem>>) dst(%dma_wait3A_42 : memref<10112x128xf32, #tpu.memory_space<vmem_shared>>)
          tpu.yield
        }) : () -> ()
      }
      %scan3A_19 = arith.constant 56 : i32
    } else {
    }
    %barrier3A_10 = arith.constant 0 : index
    tpu.barrier barrier_id(%barrier3A_10)
    %mul3A_11 = arith.constant 632 : i32
    %mul3A_12 = arith.muli %arg1, %mul3A_11 : i32
    %mul3A_13 = arith.constant 632 : i32
    %mul3A_14 = arith.muli %arg1, %mul3A_13 : i32
    "tpu.region"() ({
      %run_scoped3A = tpu.sem_alloc : memref<!tpu.dma_semaphore, #tpu.memory_space<semaphore_mem>>
      %dma_start3A = arith.constant 0 : i32
      %dma_start3A_15 = tpu.memref_slice %arg6[%arg0, %mul3A_14, %dma_start3A] : memref<2x10112x128xf32, #tpu.memory_space<hbm>> -> memref<1x632x128xf32, #tpu.memory_space<hbm>>
      %dma_start3A_16 = tpu.memref_squeeze %dma_start3A_15 : memref<1x632x128xf32, #tpu.memory_space<hbm>> -> memref<632x128xf32, #tpu.memory_space<hbm>>
      %dma_start3A_17 = arith.constant 0 : i32
      %dma_start3A_18 = tpu.memref_slice %arg10[%mul3A_12, %dma_start3A_17] : memref<10112x128xf32, #tpu.memory_space<vmem_shared>> -> memref<632x128xf32, #tpu.memory_space<vmem_shared>>
      tpu.enqueue_dma source(%dma_start3A_18 : memref<632x128xf32, #tpu.memory_space<vmem_shared>>) target(%dma_start3A_16 : memref<632x128xf32, #tpu.memory_space<hbm>>) target_semaphore(%run_scoped3A : memref<!tpu.dma_semaphore, #tpu.memory_space<semaphore_mem>>)
      %dma_wait3A = arith.constant 0 : i32
      %dma_wait3A_19 = tpu.memref_slice %arg6[%arg0, %mul3A_14, %dma_wait3A] : memref<2x10112x128xf32, #tpu.memory_space<hbm>> -> memref<1x632x128xf32, #tpu.memory_space<hbm>>
      %dma_wait3A_20 = tpu.memref_squeeze %dma_wait3A_19 : memref<1x632x128xf32, #tpu.memory_space<hbm>> -> memref<632x128xf32, #tpu.memory_space<hbm>>
      %dma_wait3A_21 = arith.constant 0 : i32
      %dma_wait3A_22 = tpu.memref_slice %arg10[%mul3A_12, %dma_wait3A_21] : memref<10112x128xf32, #tpu.memory_space<vmem_shared>> -> memref<632x128xf32, #tpu.memory_space<vmem_shared>>
      tpu.wait_dma2 semaphore(%run_scoped3A : memref<!tpu.dma_semaphore, #tpu.memory_space<semaphore_mem>>) src(%dma_wait3A_22 : memref<632x128xf32, #tpu.memory_space<vmem_shared>>) dst(%dma_wait3A_20 : memref<632x128xf32, #tpu.memory_space<hbm>>)
      tpu.yield
    }) : () -> ()
    return
  }
}

#map = affine_map<(d0, d1) -> (0, 0)>
#map1 = affine_map<(d0, d1) -> (0, 0, 0)>
module attributes {stable_mosaic.version = 14 : i64} {
  func.func @_edge_scatter(%arg0: i32, %arg1: i32, %arg2: memref<10112x128xf32, #tpu.memory_space<hbm>>, %arg3: memref<32x101x128xi32, #tpu.memory_space<hbm>>, %arg4: memref<32x101x128xi32, #tpu.memory_space<hbm>>, %arg5: memref<632x128xf32, #tpu.memory_space<hbm>>, %arg6: memref<2x10112x128xf32, #tpu.memory_space<hbm>>, %arg7: memref<101x128xi32, #tpu.memory_space<vmem>>, %arg8: memref<101x128xi32, #tpu.memory_space<vmem>>, %arg9: memref<128x128xf32, #tpu.memory_space<vmem>>, %arg10: memref<10112x128xf32, #tpu.memory_space<vmem_shared>>, %arg11: memref<!tpu.dma_semaphore, #tpu.memory_space<semaphore_mem>>) attributes {dimension_semantics = [#tpu.dimension_semantics<core_parallel>, #tpu.dimension_semantics<subcore_parallel>], iteration_bounds = array<i64: 2, 16>, scalar_prefetch = 0 : i64, scratch_operands = 5 : i64, tpu.core_type = #tpu.core_type<sc_vector_subcore>, window_params = [{transform_indices = #map}, {transform_indices = #map1}, {transform_indices = #map1}, {transform_indices = #map}, {transform_indices = #map1}]} {
    %mul3A = arith.constant 16 : i32
    %mul3A_0 = arith.muli %arg0, %mul3A : i32
    %add3A = arith.addi %mul3A_0, %arg1 : i32
    %mul3A_1 = arith.constant 632 : i32
    %mul3A_2 = arith.muli %arg1, %mul3A_1 : i32
    "tpu.region"() ({
      %run_scoped3A = tpu.sem_alloc : memref<!tpu.dma_semaphore, #tpu.memory_space<semaphore_mem>>
      %dma_start3A = arith.constant 0 : i32
      %dma_start3A_15 = tpu.memref_slice %arg10[%mul3A_2, %dma_start3A] : memref<10112x128xf32, #tpu.memory_space<vmem_shared>> -> memref<632x128xf32, #tpu.memory_space<vmem_shared>>
      tpu.enqueue_dma source(%arg5 : memref<632x128xf32, #tpu.memory_space<hbm>>) target(%dma_start3A_15 : memref<632x128xf32, #tpu.memory_space<vmem_shared>>) target_semaphore(%run_scoped3A : memref<!tpu.dma_semaphore, #tpu.memory_space<semaphore_mem>>)
      %dma_wait3A = arith.constant 0 : i32
      %dma_wait3A_16 = tpu.memref_slice %arg10[%mul3A_2, %dma_wait3A] : memref<10112x128xf32, #tpu.memory_space<vmem_shared>> -> memref<632x128xf32, #tpu.memory_space<vmem_shared>>
      tpu.wait_dma2 semaphore(%run_scoped3A : memref<!tpu.dma_semaphore, #tpu.memory_space<semaphore_mem>>) src(%arg5 : memref<632x128xf32, #tpu.memory_space<hbm>>) dst(%dma_wait3A_16 : memref<632x128xf32, #tpu.memory_space<vmem_shared>>)
      tpu.yield
    }) : () -> ()
    "tpu.region"() ({
      %run_scoped3A = tpu.sem_alloc : memref<!tpu.dma_semaphore, #tpu.memory_space<semaphore_mem>>
      %dma_start3A = arith.constant 0 : i32
      %dma_start3A_15 = arith.constant 0 : i32
      %dma_start3A_16 = tpu.memref_slice %arg3[%add3A, %dma_start3A, %dma_start3A_15] : memref<32x101x128xi32, #tpu.memory_space<hbm>> -> memref<1x101x128xi32, #tpu.memory_space<hbm>>
      %dma_start3A_17 = tpu.memref_squeeze %dma_start3A_16 : memref<1x101x128xi32, #tpu.memory_space<hbm>> -> memref<101x128xi32, #tpu.memory_space<hbm>>
      %dma_start3A_18 = arith.constant 0 : i32
      %dma_start3A_19 = arith.constant 0 : i32
      %dma_start3A_20 = tpu.memref_slice %arg3[%add3A, %dma_start3A_18, %dma_start3A_19] : memref<32x101x128xi32, #tpu.memory_space<hbm>> -> memref<1x101x128xi32, #tpu.memory_space<hbm>>
      %dma_start3A_21 = tpu.memref_squeeze %dma_start3A_20 : memref<1x101x128xi32, #tpu.memory_space<hbm>> -> memref<101x128xi32, #tpu.memory_space<hbm>>
      tpu.enqueue_dma source(%dma_start3A_21 : memref<101x128xi32, #tpu.memory_space<hbm>>) target(%arg7 : memref<101x128xi32, #tpu.memory_space<vmem>>) target_semaphore(%run_scoped3A : memref<!tpu.dma_semaphore, #tpu.memory_space<semaphore_mem>>)
      %dma_wait3A = arith.constant 0 : i32
      %dma_wait3A_22 = arith.constant 0 : i32
      %dma_wait3A_23 = tpu.memref_slice %arg3[%add3A, %dma_wait3A, %dma_wait3A_22] : memref<32x101x128xi32, #tpu.memory_space<hbm>> -> memref<1x101x128xi32, #tpu.memory_space<hbm>>
      %dma_wait3A_24 = tpu.memref_squeeze %dma_wait3A_23 : memref<1x101x128xi32, #tpu.memory_space<hbm>> -> memref<101x128xi32, #tpu.memory_space<hbm>>
      %dma_wait3A_25 = arith.constant 0 : i32
      %dma_wait3A_26 = arith.constant 0 : i32
      %dma_wait3A_27 = tpu.memref_slice %arg3[%add3A, %dma_wait3A_25, %dma_wait3A_26] : memref<32x101x128xi32, #tpu.memory_space<hbm>> -> memref<1x101x128xi32, #tpu.memory_space<hbm>>
      %dma_wait3A_28 = tpu.memref_squeeze %dma_wait3A_27 : memref<1x101x128xi32, #tpu.memory_space<hbm>> -> memref<101x128xi32, #tpu.memory_space<hbm>>
      tpu.wait_dma2 semaphore(%run_scoped3A : memref<!tpu.dma_semaphore, #tpu.memory_space<semaphore_mem>>) src(%dma_wait3A_28 : memref<101x128xi32, #tpu.memory_space<hbm>>) dst(%arg7 : memref<101x128xi32, #tpu.memory_space<vmem>>)
      tpu.yield
    }) : () -> ()
    "tpu.region"() ({
      %run_scoped3A = tpu.sem_alloc : memref<!tpu.dma_semaphore, #tpu.memory_space<semaphore_mem>>
      %dma_start3A = arith.constant 0 : i32
      %dma_start3A_15 = arith.constant 0 : i32
      %dma_start3A_16 = tpu.memref_slice %arg4[%add3A, %dma_start3A, %dma_start3A_15] : memref<32x101x128xi32, #tpu.memory_space<hbm>> -> memref<1x101x128xi32, #tpu.memory_space<hbm>>
      %dma_start3A_17 = tpu.memref_squeeze %dma_start3A_16 : memref<1x101x128xi32, #tpu.memory_space<hbm>> -> memref<101x128xi32, #tpu.memory_space<hbm>>
      %dma_start3A_18 = arith.constant 0 : i32
      %dma_start3A_19 = arith.constant 0 : i32
      %dma_start3A_20 = tpu.memref_slice %arg4[%add3A, %dma_start3A_18, %dma_start3A_19] : memref<32x101x128xi32, #tpu.memory_space<hbm>> -> memref<1x101x128xi32, #tpu.memory_space<hbm>>
      %dma_start3A_21 = tpu.memref_squeeze %dma_start3A_20 : memref<1x101x128xi32, #tpu.memory_space<hbm>> -> memref<101x128xi32, #tpu.memory_space<hbm>>
      tpu.enqueue_dma source(%dma_start3A_21 : memref<101x128xi32, #tpu.memory_space<hbm>>) target(%arg8 : memref<101x128xi32, #tpu.memory_space<vmem>>) target_semaphore(%run_scoped3A : memref<!tpu.dma_semaphore, #tpu.memory_space<semaphore_mem>>)
      %dma_wait3A = arith.constant 0 : i32
      %dma_wait3A_22 = arith.constant 0 : i32
      %dma_wait3A_23 = tpu.memref_slice %arg4[%add3A, %dma_wait3A, %dma_wait3A_22] : memref<32x101x128xi32, #tpu.memory_space<hbm>> -> memref<1x101x128xi32, #tpu.memory_space<hbm>>
      %dma_wait3A_24 = tpu.memref_squeeze %dma_wait3A_23 : memref<1x101x128xi32, #tpu.memory_space<hbm>> -> memref<101x128xi32, #tpu.memory_space<hbm>>
      %dma_wait3A_25 = arith.constant 0 : i32
      %dma_wait3A_26 = arith.constant 0 : i32
      %dma_wait3A_27 = tpu.memref_slice %arg4[%add3A, %dma_wait3A_25, %dma_wait3A_26] : memref<32x101x128xi32, #tpu.memory_space<hbm>> -> memref<1x101x128xi32, #tpu.memory_space<hbm>>
      %dma_wait3A_28 = tpu.memref_squeeze %dma_wait3A_27 : memref<1x101x128xi32, #tpu.memory_space<hbm>> -> memref<101x128xi32, #tpu.memory_space<hbm>>
      tpu.wait_dma2 semaphore(%run_scoped3A : memref<!tpu.dma_semaphore, #tpu.memory_space<semaphore_mem>>) src(%dma_wait3A_28 : memref<101x128xi32, #tpu.memory_space<hbm>>) dst(%arg8 : memref<101x128xi32, #tpu.memory_space<vmem>>)
      tpu.yield
    }) : () -> ()
    %barrier3A = arith.constant 0 : index
    tpu.barrier barrier_id(%barrier3A)
    %eq3A = arith.constant 0 : i32
    %eq3A_3 = arith.cmpi eq, %arg0, %eq3A : i32
    %convert_element_type3A = arith.extui %eq3A_3 : i1 to i32
    %cond3A = arith.constant 0 : i32
    %cond3A_4 = arith.cmpi ne, %convert_element_type3A, %cond3A : i32
    scf.if %cond3A_4 {
      %scan3A = arith.constant 0 : i32
      %scan3A_15 = arith.constant 0 : i32
      %scan3A_16 = arith.constant 101 : i32
      %scan3A_17 = arith.addi %scan3A_15, %scan3A_16 : i32
      %scan3A_18 = arith.constant 1 : i32
      scf.for %scan3A_20 = %scan3A_15 to %scan3A_17 step %scan3A_18  : i32 {
        %dma_start3A = arith.constant 0 : i32
        %dma_start3A_21 = tpu.memref_slice %arg7[%scan3A_20, %dma_start3A] : memref<101x128xi32, #tpu.memory_space<vmem>> -> memref<1x128xi32, #tpu.memory_space<vmem>>
        %dma_start3A_22 = tpu.memref_squeeze %dma_start3A_21 : memref<1x128xi32, #tpu.memory_space<vmem>> -> memref<128xi32, #tpu.memory_space<vmem>>
        %dma_start3A_23 = arith.constant 0 : i32
        %dma_start3A_24 = arith.constant 0 : i32
        %dma_start3A_25 = tpu.memref_slice %arg2[%dma_start3A_23, %dma_start3A_24] : memref<10112x128xf32, #tpu.memory_space<hbm>> -> memref<10112x128xf32, #tpu.memory_space<hbm>>
        tpu.enqueue_indirect_dma source(%dma_start3A_25 : memref<10112x128xf32, #tpu.memory_space<hbm>>) target(%arg9 : memref<128x128xf32, #tpu.memory_space<vmem>>) offsets(%dma_start3A_22 : memref<128xi32, #tpu.memory_space<vmem>>) semaphore(%arg11 : memref<!tpu.dma_semaphore, #tpu.memory_space<semaphore_mem>>)
        %dma_wait3A = arith.constant 0 : i32
        %dma_wait3A_26 = tpu.memref_slice %arg7[%scan3A_20, %dma_wait3A] : memref<101x128xi32, #tpu.memory_space<vmem>> -> memref<1x128xi32, #tpu.memory_space<vmem>>
        %dma_wait3A_27 = tpu.memref_squeeze %dma_wait3A_26 : memref<1x128xi32, #tpu.memory_space<vmem>> -> memref<128xi32, #tpu.memory_space<vmem>>
        %dma_wait3A_28 = arith.constant 0 : i32
        %dma_wait3A_29 = arith.constant 0 : i32
        %dma_wait3A_30 = tpu.memref_slice %arg2[%dma_wait3A_28, %dma_wait3A_29] : memref<10112x128xf32, #tpu.memory_space<hbm>> -> memref<10112x128xf32, #tpu.memory_space<hbm>>
        tpu.wait_indirect_dma semaphore(%arg11 : memref<!tpu.dma_semaphore, #tpu.memory_space<semaphore_mem>>) src(%dma_wait3A_30 : memref<10112x128xf32, #tpu.memory_space<hbm>>) dst(%arg9 : memref<128x128xf32, #tpu.memory_space<vmem>>)
        "tpu.region"() ({
          %run_scoped3A = tpu.sem_alloc : memref<!tpu.dma_semaphore, #tpu.memory_space<semaphore_mem>>
          %dma_start3A_31 = arith.constant 0 : i32
          %dma_start3A_32 = tpu.memref_slice %arg8[%scan3A_20, %dma_start3A_31] : memref<101x128xi32, #tpu.memory_space<vmem>> -> memref<1x128xi32, #tpu.memory_space<vmem>>
          %dma_start3A_33 = tpu.memref_squeeze %dma_start3A_32 : memref<1x128xi32, #tpu.memory_space<vmem>> -> memref<128xi32, #tpu.memory_space<vmem>>
          %dma_start3A_34 = arith.constant 0 : i32
          %dma_start3A_35 = arith.constant 0 : i32
          %dma_start3A_36 = tpu.memref_slice %arg10[%dma_start3A_34, %dma_start3A_35] : memref<10112x128xf32, #tpu.memory_space<vmem_shared>> -> memref<10112x128xf32, #tpu.memory_space<vmem_shared>>
          tpu.enqueue_indirect_dma source(%arg9 : memref<128x128xf32, #tpu.memory_space<vmem>>) target(%dma_start3A_36 : memref<10112x128xf32, #tpu.memory_space<vmem_shared>>) offsets(%dma_start3A_33 : memref<128xi32, #tpu.memory_space<vmem>>) semaphore(%run_scoped3A : memref<!tpu.dma_semaphore, #tpu.memory_space<semaphore_mem>>) {add = true}
          %dma_wait3A_37 = arith.constant 0 : i32
          %dma_wait3A_38 = tpu.memref_slice %arg8[%scan3A_20, %dma_wait3A_37] : memref<101x128xi32, #tpu.memory_space<vmem>> -> memref<1x128xi32, #tpu.memory_space<vmem>>
          %dma_wait3A_39 = tpu.memref_squeeze %dma_wait3A_38 : memref<1x128xi32, #tpu.memory_space<vmem>> -> memref<128xi32, #tpu.memory_space<vmem>>
          %dma_wait3A_40 = arith.constant 0 : i32
          %dma_wait3A_41 = arith.constant 0 : i32
          %dma_wait3A_42 = tpu.memref_slice %arg10[%dma_wait3A_40, %dma_wait3A_41] : memref<10112x128xf32, #tpu.memory_space<vmem_shared>> -> memref<10112x128xf32, #tpu.memory_space<vmem_shared>>
          tpu.wait_indirect_dma semaphore(%run_scoped3A : memref<!tpu.dma_semaphore, #tpu.memory_space<semaphore_mem>>) src(%arg9 : memref<128x128xf32, #tpu.memory_space<vmem>>) dst(%dma_wait3A_42 : memref<10112x128xf32, #tpu.memory_space<vmem_shared>>)
          tpu.yield
        }) : () -> ()
      }
      %scan3A_19 = arith.constant 101 : i32
    } else {
    }
    %eq3A_5 = arith.constant 1 : i32
    %eq3A_6 = arith.cmpi eq, %arg0, %eq3A_5 : i32
    %convert_element_type3A_7 = arith.extui %eq3A_6 : i1 to i32
    %cond3A_8 = arith.constant 0 : i32
    %cond3A_9 = arith.cmpi ne, %convert_element_type3A_7, %cond3A_8 : i32
    scf.if %cond3A_9 {
      %scan3A = arith.constant 0 : i32
      %scan3A_15 = arith.constant 0 : i32
      %scan3A_16 = arith.constant 56 : i32
      %scan3A_17 = arith.addi %scan3A_15, %scan3A_16 : i32
      %scan3A_18 = arith.constant 1 : i32
      scf.for %scan3A_20 = %scan3A_15 to %scan3A_17 step %scan3A_18  : i32 {
        %dma_start3A = arith.constant 0 : i32
        %dma_start3A_21 = tpu.memref_slice %arg7[%scan3A_20, %dma_start3A] : memref<101x128xi32, #tpu.memory_space<vmem>> -> memref<1x128xi32, #tpu.memory_space<vmem>>
        %dma_start3A_22 = tpu.memref_squeeze %dma_start3A_21 : memref<1x128xi32, #tpu.memory_space<vmem>> -> memref<128xi32, #tpu.memory_space<vmem>>
        %dma_start3A_23 = arith.constant 0 : i32
        %dma_start3A_24 = arith.constant 0 : i32
        %dma_start3A_25 = tpu.memref_slice %arg2[%dma_start3A_23, %dma_start3A_24] : memref<10112x128xf32, #tpu.memory_space<hbm>> -> memref<10112x128xf32, #tpu.memory_space<hbm>>
        tpu.enqueue_indirect_dma source(%dma_start3A_25 : memref<10112x128xf32, #tpu.memory_space<hbm>>) target(%arg9 : memref<128x128xf32, #tpu.memory_space<vmem>>) offsets(%dma_start3A_22 : memref<128xi32, #tpu.memory_space<vmem>>) semaphore(%arg11 : memref<!tpu.dma_semaphore, #tpu.memory_space<semaphore_mem>>)
        %dma_wait3A = arith.constant 0 : i32
        %dma_wait3A_26 = tpu.memref_slice %arg7[%scan3A_20, %dma_wait3A] : memref<101x128xi32, #tpu.memory_space<vmem>> -> memref<1x128xi32, #tpu.memory_space<vmem>>
        %dma_wait3A_27 = tpu.memref_squeeze %dma_wait3A_26 : memref<1x128xi32, #tpu.memory_space<vmem>> -> memref<128xi32, #tpu.memory_space<vmem>>
        %dma_wait3A_28 = arith.constant 0 : i32
        %dma_wait3A_29 = arith.constant 0 : i32
        %dma_wait3A_30 = tpu.memref_slice %arg2[%dma_wait3A_28, %dma_wait3A_29] : memref<10112x128xf32, #tpu.memory_space<hbm>> -> memref<10112x128xf32, #tpu.memory_space<hbm>>
        tpu.wait_indirect_dma semaphore(%arg11 : memref<!tpu.dma_semaphore, #tpu.memory_space<semaphore_mem>>) src(%dma_wait3A_30 : memref<10112x128xf32, #tpu.memory_space<hbm>>) dst(%arg9 : memref<128x128xf32, #tpu.memory_space<vmem>>)
        "tpu.region"() ({
          %run_scoped3A = tpu.sem_alloc : memref<!tpu.dma_semaphore, #tpu.memory_space<semaphore_mem>>
          %dma_start3A_31 = arith.constant 0 : i32
          %dma_start3A_32 = tpu.memref_slice %arg8[%scan3A_20, %dma_start3A_31] : memref<101x128xi32, #tpu.memory_space<vmem>> -> memref<1x128xi32, #tpu.memory_space<vmem>>
          %dma_start3A_33 = tpu.memref_squeeze %dma_start3A_32 : memref<1x128xi32, #tpu.memory_space<vmem>> -> memref<128xi32, #tpu.memory_space<vmem>>
          %dma_start3A_34 = arith.constant 0 : i32
          %dma_start3A_35 = arith.constant 0 : i32
          %dma_start3A_36 = tpu.memref_slice %arg10[%dma_start3A_34, %dma_start3A_35] : memref<10112x128xf32, #tpu.memory_space<vmem_shared>> -> memref<10112x128xf32, #tpu.memory_space<vmem_shared>>
          tpu.enqueue_indirect_dma source(%arg9 : memref<128x128xf32, #tpu.memory_space<vmem>>) target(%dma_start3A_36 : memref<10112x128xf32, #tpu.memory_space<vmem_shared>>) offsets(%dma_start3A_33 : memref<128xi32, #tpu.memory_space<vmem>>) semaphore(%run_scoped3A : memref<!tpu.dma_semaphore, #tpu.memory_space<semaphore_mem>>) {add = true}
          %dma_wait3A_37 = arith.constant 0 : i32
          %dma_wait3A_38 = tpu.memref_slice %arg8[%scan3A_20, %dma_wait3A_37] : memref<101x128xi32, #tpu.memory_space<vmem>> -> memref<1x128xi32, #tpu.memory_space<vmem>>
          %dma_wait3A_39 = tpu.memref_squeeze %dma_wait3A_38 : memref<1x128xi32, #tpu.memory_space<vmem>> -> memref<128xi32, #tpu.memory_space<vmem>>
          %dma_wait3A_40 = arith.constant 0 : i32
          %dma_wait3A_41 = arith.constant 0 : i32
          %dma_wait3A_42 = tpu.memref_slice %arg10[%dma_wait3A_40, %dma_wait3A_41] : memref<10112x128xf32, #tpu.memory_space<vmem_shared>> -> memref<10112x128xf32, #tpu.memory_space<vmem_shared>>
          tpu.wait_indirect_dma semaphore(%run_scoped3A : memref<!tpu.dma_semaphore, #tpu.memory_space<semaphore_mem>>) src(%arg9 : memref<128x128xf32, #tpu.memory_space<vmem>>) dst(%dma_wait3A_42 : memref<10112x128xf32, #tpu.memory_space<vmem_shared>>)
          tpu.yield
        }) : () -> ()
      }
      %scan3A_19 = arith.constant 56 : i32
    } else {
    }
    %barrier3A_10 = arith.constant 0 : index
    tpu.barrier barrier_id(%barrier3A_10)
    %mul3A_11 = arith.constant 632 : i32
    %mul3A_12 = arith.muli %arg1, %mul3A_11 : i32
    %mul3A_13 = arith.constant 632 : i32
    %mul3A_14 = arith.muli %arg1, %mul3A_13 : i32
    "tpu.region"() ({
      %run_scoped3A = tpu.sem_alloc : memref<!tpu.dma_semaphore, #tpu.memory_space<semaphore_mem>>
      %dma_start3A = arith.constant 0 : i32
      %dma_start3A_15 = tpu.memref_slice %arg6[%arg0, %mul3A_14, %dma_start3A] : memref<2x10112x128xf32, #tpu.memory_space<hbm>> -> memref<1x632x128xf32, #tpu.memory_space<hbm>>
      %dma_start3A_16 = tpu.memref_squeeze %dma_start3A_15 : memref<1x632x128xf32, #tpu.memory_space<hbm>> -> memref<632x128xf32, #tpu.memory_space<hbm>>
      %dma_start3A_17 = arith.constant 0 : i32
      %dma_start3A_18 = tpu.memref_slice %arg10[%mul3A_12, %dma_start3A_17] : memref<10112x128xf32, #tpu.memory_space<vmem_shared>> -> memref<632x128xf32, #tpu.memory_space<vmem_shared>>
      tpu.enqueue_dma source(%dma_start3A_18 : memref<632x128xf32, #tpu.memory_space<vmem_shared>>) target(%dma_start3A_16 : memref<632x128xf32, #tpu.memory_space<hbm>>) target_semaphore(%run_scoped3A : memref<!tpu.dma_semaphore, #tpu.memory_space<semaphore_mem>>)
      %dma_wait3A = arith.constant 0 : i32
      %dma_wait3A_19 = tpu.memref_slice %arg6[%arg0, %mul3A_14, %dma_wait3A] : memref<2x10112x128xf32, #tpu.memory_space<hbm>> -> memref<1x632x128xf32, #tpu.memory_space<hbm>>
      %dma_wait3A_20 = tpu.memref_squeeze %dma_wait3A_19 : memref<1x632x128xf32, #tpu.memory_space<hbm>> -> memref<632x128xf32, #tpu.memory_space<hbm>>
      %dma_wait3A_21 = arith.constant 0 : i32
      %dma_wait3A_22 = tpu.memref_slice %arg10[%mul3A_12, %dma_wait3A_21] : memref<10112x128xf32, #tpu.memory_space<vmem_shared>> -> memref<632x128xf32, #tpu.memory_space<vmem_shared>>
      tpu.wait_dma2 semaphore(%run_scoped3A : memref<!tpu.dma_semaphore, #tpu.memory_space<semaphore_mem>>) src(%dma_wait3A_22 : memref<632x128xf32, #tpu.memory_space<vmem_shared>>) dst(%dma_wait3A_20 : memref<632x128xf32, #tpu.memory_space<hbm>>)
      tpu.yield
    }) : () -> ()
    return
  }
}

module attributes {stable_mosaic.version = 14 : i64} {
  func.func @_tc_first(%arg0: memref<32x10112xf32, #tpu.memory_space<vmem>>, %arg1: memref<10112x1xf32, #tpu.memory_space<vmem>>, %arg2: memref<10112x128xf32, #tpu.memory_space<vmem>>, %arg3: memref<128x128xf32, #tpu.memory_space<vmem>>, %arg4: memref<10112x128xf32, #tpu.memory_space<vmem>>, %arg5: memref<10112x128xf32, #tpu.memory_space<vmem>>, %arg6: memref<10112x1xf32, #tpu.memory_space<vmem>>, %arg7: memref<10112x1xf32, #tpu.memory_space<vmem>>, %arg8: memref<10112x1xf32, #tpu.memory_space<vmem>>) attributes {dimension_semantics = [], scalar_prefetch = 0 : i64, scratch_operands = 0 : i64, tpu.core_type = #tpu.core_type<tc>} {
    %get3A = arith.constant 0 : index
    %get3A_0 = arith.constant 0 : index
    %get3A_1 = vector.load %arg0[%get3A, %get3A_0] : memref<32x10112xf32, #tpu.memory_space<vmem>>, vector<32x10112xf32>
    %reduce_sum3A = arith.constant dense<0.000000e+00> : vector<10112xf32>
    %reduce_sum3A_2 = vector.multi_reduction <add>, %get3A_1, %reduce_sum3A [0] : vector<32x10112xf32> to vector<10112xf32>
    %broadcast_in_dim3A = vector.shape_cast %reduce_sum3A_2 : vector<10112xf32> to vector<10112x1xf32>
    %add3A = arith.constant 1.000000e+00 : f32
    %add3A_3 = vector.broadcast %add3A : f32 to vector<10112x1xf32>
    %add3A_4 = arith.addf %add3A_3, %broadcast_in_dim3A : vector<10112x1xf32>
    %gt3A = arith.constant 0.000000e+00 : f32
    %gt3A_5 = vector.broadcast %gt3A : f32 to vector<10112x1xf32>
    %gt3A_6 = arith.cmpf ogt, %add3A_4, %gt3A_5 : vector<10112x1xf32>
    %rsqrt3A = math.rsqrt %add3A_4 : vector<10112x1xf32>
    %jit3A = arith.constant 0.000000e+00 : f32
    %broadcast_in_dim3A_7 = vector.broadcast %jit3A : f32 to vector<10112x1xf32>
    %select_n3A = arith.select %gt3A_6, %rsqrt3A, %broadcast_in_dim3A_7 : vector<10112x1xi1>, vector<10112x1xf32>
    %get3A_8 = arith.constant 0 : index
    %get3A_9 = arith.constant 0 : index
    %get3A_10 = vector.load %arg1[%get3A_8, %get3A_9] : memref<10112x1xf32, #tpu.memory_space<vmem>>, vector<10112x1xf32>
    %mul3A = arith.mulf %select_n3A, %get3A_10 : vector<10112x1xf32>
    %get3A_11 = arith.constant 0 : index
    %get3A_12 = arith.constant 0 : index
    %get3A_13 = vector.load %arg2[%get3A_11, %get3A_12] : memref<10112x128xf32, #tpu.memory_space<vmem>>, vector<10112x128xf32>
    %get3A_14 = arith.constant 0 : index
    %get3A_15 = arith.constant 0 : index
    %get3A_16 = vector.load %arg3[%get3A_14, %get3A_15] : memref<128x128xf32, #tpu.memory_space<vmem>>, vector<128x128xf32>
    %dot_general3A = arith.constant dense<0.000000e+00> : vector<10112x128xf32>
    %dot_general3A_17 = tpu.matmul %get3A_13, %get3A_16, %dot_general3A {dimension_numbers = #tpu.dot_dimension_numbers<[1], [0], [0], [1], [0, 0, 1, 1], [], []>, transpose_lhs_hint = false} : vector<10112x128xf32>, vector<128x128xf32>, vector<10112x128xf32> -> vector<10112x128xf32>
    %mul3A_18 = vector.broadcast %mul3A : vector<10112x1xf32> to vector<10112x128xf32>
    %mul3A_19 = arith.mulf %dot_general3A_17, %mul3A_18 : vector<10112x128xf32>
    %swap3A = arith.constant 0 : index
    %swap3A_20 = arith.constant 0 : index
    %swap3A_21 = vector.load %arg4[%swap3A, %swap3A_20] : memref<10112x128xf32, #tpu.memory_space<vmem>>, vector<10112x128xf32>
    tpu.vector_store %arg4[%swap3A, %swap3A_20], %mul3A_19 {strides = array<i32>} : memref<10112x128xf32, #tpu.memory_space<vmem>>, vector<10112x128xf32>,
    %swap3A_22 = arith.constant 0 : index
    %swap3A_23 = arith.constant 0 : index
    %swap3A_24 = vector.load %arg5[%swap3A_22, %swap3A_23] : memref<10112x128xf32, #tpu.memory_space<vmem>>, vector<10112x128xf32>
    tpu.vector_store %arg5[%swap3A_22, %swap3A_23], %dot_general3A_17 {strides = array<i32>} : memref<10112x128xf32, #tpu.memory_space<vmem>>, vector<10112x128xf32>,
    %swap3A_25 = arith.constant 0 : index
    %swap3A_26 = arith.constant 0 : index
    %swap3A_27 = vector.load %arg6[%swap3A_25, %swap3A_26] : memref<10112x1xf32, #tpu.memory_space<vmem>>, vector<10112x1xf32>
    tpu.vector_store %arg6[%swap3A_25, %swap3A_26], %mul3A {strides = array<i32>} : memref<10112x1xf32, #tpu.memory_space<vmem>>, vector<10112x1xf32>,
    %swap3A_28 = arith.constant 0 : index
    %swap3A_29 = arith.constant 0 : index
    %swap3A_30 = vector.load %arg7[%swap3A_28, %swap3A_29] : memref<10112x1xf32, #tpu.memory_space<vmem>>, vector<10112x1xf32>
    tpu.vector_store %arg7[%swap3A_28, %swap3A_29], %select_n3A {strides = array<i32>} : memref<10112x1xf32, #tpu.memory_space<vmem>>, vector<10112x1xf32>,
    %mul3A_31 = arith.mulf %select_n3A, %select_n3A : vector<10112x1xf32>
    %swap3A_32 = arith.constant 0 : index
    %swap3A_33 = arith.constant 0 : index
    %swap3A_34 = vector.load %arg8[%swap3A_32, %swap3A_33] : memref<10112x1xf32, #tpu.memory_space<vmem>>, vector<10112x1xf32>
    tpu.vector_store %arg8[%swap3A_32, %swap3A_33], %mul3A_31 {strides = array<i32>} : memref<10112x1xf32, #tpu.memory_space<vmem>>, vector<10112x1xf32>,
    return
  }
}

module attributes {stable_mosaic.version = 14 : i64} {
  func.func @_tc_mid(%arg0: memref<2x10112x128xf32, #tpu.memory_space<vmem>>, %arg1: memref<10112x128xf32, #tpu.memory_space<vmem>>, %arg2: memref<10112x1xf32, #tpu.memory_space<vmem>>, %arg3: memref<10112x1xf32, #tpu.memory_space<vmem>>, %arg4: memref<10112x1xf32, #tpu.memory_space<vmem>>, %arg5: memref<1x128xf32, #tpu.memory_space<vmem>>, %arg6: memref<128x128xf32, #tpu.memory_space<vmem>>, %arg7: memref<10112x128xf32, #tpu.memory_space<vmem>>, %arg8: memref<10112x128xf32, #tpu.memory_space<vmem>>) attributes {dimension_semantics = [], scalar_prefetch = 0 : i64, scratch_operands = 0 : i64, tpu.core_type = #tpu.core_type<tc>} {
    %get3A = arith.constant 0 : index
    %get3A_0 = arith.constant 0 : index
    %get3A_1 = arith.constant 0 : index
    %get3A_2 = vector.load %arg0[%get3A, %get3A_0, %get3A_1] : memref<2x10112x128xf32, #tpu.memory_space<vmem>>, vector<2x10112x128xf32>
    %get3A_3 = arith.constant 0 : index
    %get3A_4 = arith.constant 0 : index
    %get3A_5 = vector.load %arg3[%get3A_3, %get3A_4] : memref<10112x1xf32, #tpu.memory_space<vmem>>, vector<10112x1xf32>
    %slice3A = vector.extract_strided_slice %get3A_2 {offsets = [0, 0, 0], sizes = [1, 10112, 128], strides = [1, 1, 1]} : vector<2x10112x128xf32> to vector<1x10112x128xf32>
    %squeeze3A = vector.shape_cast %slice3A : vector<1x10112x128xf32> to vector<10112x128xf32>
    %slice3A_6 = vector.extract_strided_slice %get3A_2 {offsets = [1, 0, 0], sizes = [1, 10112, 128], strides = [1, 1, 1]} : vector<2x10112x128xf32> to vector<1x10112x128xf32>
    %squeeze3A_7 = vector.shape_cast %slice3A_6 : vector<1x10112x128xf32> to vector<10112x128xf32>
    %add3A = arith.addf %squeeze3A, %squeeze3A_7 : vector<10112x128xf32>
    %mul3A = vector.broadcast %get3A_5 : vector<10112x1xf32> to vector<10112x128xf32>
    %mul3A_8 = arith.mulf %mul3A, %add3A : vector<10112x128xf32>
    %get3A_9 = arith.constant 0 : index
    %get3A_10 = arith.constant 0 : index
    %get3A_11 = vector.load %arg4[%get3A_9, %get3A_10] : memref<10112x1xf32, #tpu.memory_space<vmem>>, vector<10112x1xf32>
    %get3A_12 = arith.constant 0 : index
    %get3A_13 = arith.constant 0 : index
    %get3A_14 = vector.load %arg1[%get3A_12, %get3A_13] : memref<10112x128xf32, #tpu.memory_space<vmem>>, vector<10112x128xf32>
    %mul3A_15 = vector.broadcast %get3A_11 : vector<10112x1xf32> to vector<10112x128xf32>
    %mul3A_16 = arith.mulf %mul3A_15, %get3A_14 : vector<10112x128xf32>
    %add3A_17 = arith.addf %mul3A_8, %mul3A_16 : vector<10112x128xf32>
    %get3A_18 = arith.constant 0 : index
    %get3A_19 = arith.constant 0 : index
    %get3A_20 = vector.load %arg5[%get3A_18, %get3A_19] : memref<1x128xf32, #tpu.memory_space<vmem>>, vector<1x128xf32>
    %add3A_21 = vector.broadcast %get3A_20 : vector<1x128xf32> to vector<10112x128xf32>
    %add3A_22 = arith.addf %add3A_17, %add3A_21 : vector<10112x128xf32>
    %max3A = arith.constant 0.000000e+00 : f32
    %max3A_23 = vector.broadcast %max3A : f32 to vector<10112x128xf32>
    %max3A_24 = arith.maximumf %add3A_22, %max3A_23 : vector<10112x128xf32>
    %get3A_25 = arith.constant 0 : index
    %get3A_26 = arith.constant 0 : index
    %get3A_27 = vector.load %arg6[%get3A_25, %get3A_26] : memref<128x128xf32, #tpu.memory_space<vmem>>, vector<128x128xf32>
    %dot_general3A = arith.constant dense<0.000000e+00> : vector<10112x128xf32>
    %dot_general3A_28 = tpu.matmul %max3A_24, %get3A_27, %dot_general3A {dimension_numbers = #tpu.dot_dimension_numbers<[1], [0], [0], [1], [0, 0, 1, 1], [], []>, transpose_lhs_hint = false} : vector<10112x128xf32>, vector<128x128xf32>, vector<10112x128xf32> -> vector<10112x128xf32>
    %get3A_29 = arith.constant 0 : index
    %get3A_30 = arith.constant 0 : index
    %get3A_31 = vector.load %arg2[%get3A_29, %get3A_30] : memref<10112x1xf32, #tpu.memory_space<vmem>>, vector<10112x1xf32>
    %mul3A_32 = vector.broadcast %get3A_31 : vector<10112x1xf32> to vector<10112x128xf32>
    %mul3A_33 = arith.mulf %dot_general3A_28, %mul3A_32 : vector<10112x128xf32>
    %swap3A = arith.constant 0 : index
    %swap3A_34 = arith.constant 0 : index
    %swap3A_35 = vector.load %arg7[%swap3A, %swap3A_34] : memref<10112x128xf32, #tpu.memory_space<vmem>>, vector<10112x128xf32>
    tpu.vector_store %arg7[%swap3A, %swap3A_34], %mul3A_33 {strides = array<i32>} : memref<10112x128xf32, #tpu.memory_space<vmem>>, vector<10112x128xf32>,
    %swap3A_36 = arith.constant 0 : index
    %swap3A_37 = arith.constant 0 : index
    %swap3A_38 = vector.load %arg8[%swap3A_36, %swap3A_37] : memref<10112x128xf32, #tpu.memory_space<vmem>>, vector<10112x128xf32>
    tpu.vector_store %arg8[%swap3A_36, %swap3A_37], %dot_general3A_28 {strides = array<i32>} : memref<10112x128xf32, #tpu.memory_space<vmem>>, vector<10112x128xf32>,
    return
  }
}

module attributes {stable_mosaic.version = 14 : i64} {
  func.func @_tc_last(%arg0: memref<2x10112x128xf32, #tpu.memory_space<vmem>>, %arg1: memref<10112x128xf32, #tpu.memory_space<vmem>>, %arg2: memref<10112x1xf32, #tpu.memory_space<vmem>>, %arg3: memref<10112x1xf32, #tpu.memory_space<vmem>>, %arg4: memref<1x128xf32, #tpu.memory_space<vmem>>, %arg5: memref<10112x128xf32, #tpu.memory_space<vmem>>) attributes {dimension_semantics = [], scalar_prefetch = 0 : i64, scratch_operands = 0 : i64, tpu.core_type = #tpu.core_type<tc>} {
    %get3A = arith.constant 0 : index
    %get3A_0 = arith.constant 0 : index
    %get3A_1 = arith.constant 0 : index
    %get3A_2 = vector.load %arg0[%get3A, %get3A_0, %get3A_1] : memref<2x10112x128xf32, #tpu.memory_space<vmem>>, vector<2x10112x128xf32>
    %get3A_3 = arith.constant 0 : index
    %get3A_4 = arith.constant 0 : index
    %get3A_5 = vector.load %arg2[%get3A_3, %get3A_4] : memref<10112x1xf32, #tpu.memory_space<vmem>>, vector<10112x1xf32>
    %slice3A = vector.extract_strided_slice %get3A_2 {offsets = [0, 0, 0], sizes = [1, 10112, 128], strides = [1, 1, 1]} : vector<2x10112x128xf32> to vector<1x10112x128xf32>
    %squeeze3A = vector.shape_cast %slice3A : vector<1x10112x128xf32> to vector<10112x128xf32>
    %slice3A_6 = vector.extract_strided_slice %get3A_2 {offsets = [1, 0, 0], sizes = [1, 10112, 128], strides = [1, 1, 1]} : vector<2x10112x128xf32> to vector<1x10112x128xf32>
    %squeeze3A_7 = vector.shape_cast %slice3A_6 : vector<1x10112x128xf32> to vector<10112x128xf32>
    %add3A = arith.addf %squeeze3A, %squeeze3A_7 : vector<10112x128xf32>
    %mul3A = vector.broadcast %get3A_5 : vector<10112x1xf32> to vector<10112x128xf32>
    %mul3A_8 = arith.mulf %mul3A, %add3A : vector<10112x128xf32>
    %get3A_9 = arith.constant 0 : index
    %get3A_10 = arith.constant 0 : index
    %get3A_11 = vector.load %arg3[%get3A_9, %get3A_10] : memref<10112x1xf32, #tpu.memory_space<vmem>>, vector<10112x1xf32>
    %get3A_12 = arith.constant 0 : index
    %get3A_13 = arith.constant 0 : index
    %get3A_14 = vector.load %arg1[%get3A_12, %get3A_13] : memref<10112x128xf32, #tpu.memory_space<vmem>>, vector<10112x128xf32>
    %mul3A_15 = vector.broadcast %get3A_11 : vector<10112x1xf32> to vector<10112x128xf32>
    %mul3A_16 = arith.mulf %mul3A_15, %get3A_14 : vector<10112x128xf32>
    %add3A_17 = arith.addf %mul3A_8, %mul3A_16 : vector<10112x128xf32>
    %get3A_18 = arith.constant 0 : index
    %get3A_19 = arith.constant 0 : index
    %get3A_20 = vector.load %arg4[%get3A_18, %get3A_19] : memref<1x128xf32, #tpu.memory_space<vmem>>, vector<1x128xf32>
    %add3A_21 = vector.broadcast %get3A_20 : vector<1x128xf32> to vector<10112x128xf32>
    %add3A_22 = arith.addf %add3A_17, %add3A_21 : vector<10112x128xf32>
    %swap3A = arith.constant 0 : index
    %swap3A_23 = arith.constant 0 : index
    %swap3A_24 = vector.load %arg5[%swap3A, %swap3A_23] : memref<10112x128xf32, #tpu.memory_space<vmem>>, vector<10112x128xf32>
    tpu.vector_store %arg5[%swap3A, %swap3A_23], %add3A_22 {strides = array<i32>} : memref<10112x128xf32, #tpu.memory_space<vmem>>, vector<10112x128xf32>,
    return
  }
}

</mosaic_0001>

<sc_bundles>
// kernel: kernel.10.cloned.1.call-start
scs
__scs_entry_jumppad:
0x0: {  	(pc) =	sbr.rel $0x88, $3  }
0x1: {  	(tag) =	ssettag $0x0;
	lr =	simm.s32 $0x1  }
0x2: {  	[smem:$0x3F98] =	sst lr;
	_ =	strace $0xD0000000  }
0x3: {  	_ = 	snop  }
0x4: {  	_ = 	snop  }
0x5: {  	_ = 	snop  }
0x6: {  	_ = 	snop  }
0x7: {  	_ = 	snop  }
__scs_overlays_trampoline_lowered:
0x8: {  	[smem:$0x3FA7] =	sst s0  }
0x9: {  	[smem:$0x3FA8] =	sst s1  }
0xa: {  	[smem:$0x3FA9] =	sst s2  }
0xb: {  	[smem:$0x3FAA] =	sst s3  }
0xc: {  	[smem:$0x3FAB] =	sst s4  }
0xd: {  	[smem:$0x3FAC] =	sst s5  }
0xe: {  	[smem:$0x3FAD] =	sst s6  }
0xf: {  	[smem:$0x3FAE] =	sst s7  }
0x10: {  	[smem:$0x3FAF] =	sst s8  }
0x11: {  	[smem:$0x3FB0] =	sst s9;
	s0 =	simm.s32 @!p0 $0x0  }
0x12: {  	s1 =	sld [smem:$0x3F96];
	s0 =	simm.s32 @p0 $0x1  }
0x13: {  	[smem:$0x3FB1] =	sst s0;
	s0 =	simm.s32 @!p1 $0x0  }
0x14: {  	s2 =	sld [smem:$0x3F95];
	s0 =	simm.s32 @p1 $0x1  }
0x15: {  	[smem:$0x3FB2] =	sst s0;
	s0 =	simm.s32 @!p2 $0x0  }
0x16: {  	s3 =	sld [smem:$0x3FDB];
	s0 =	simm.s32 @p2 $0x1  }
0x17: {  	s4 =	simm.s32 $0x1BF5;
	[smem:$0x3FB4] =	sst s0  }
0x18: {  	s0 =	sld [smem:$0x3F97];
	_ =	swait.ge [sflag:s4], $0x0  }
0x19: {  	s7 =	sld [smem:$0x3F98]  }
0x1a: {  	s8 =	sadd.s32 $0xFFFFE003, lr  }
0x1b: {  	s9 =	sadd.s32 $0xFFFFFEF7, lr;
	s5 =	simm.s32 $0xFFFFFFFF;
	p2 =	slt.u32 s8, $0xFFFFF086  }
0x1c: {  	p1 =	slt.u32 s9, $0xF7A;
	s5 =	simm.s32 @!p2 $0x0  }
0x1d: {  	s5 =	simm.s32 @p1 $0x1;
	p0 =	seq.s32 s7, s2  }
0x1e: {  	s7 =	smul.u32 @!p0 $0xF7A, s2;
	p2 =	seq.s32 @!p0 s5, $0x0  }
0x1f: {  	s9 =	smul.u32 $0xF7A, s1;
	s8 =	simm.s32 @!p0 $0x1BF5;
	p2 =	por !p2, p0  }
0x20: {  	[sflag:s8] =	ssyncset.s32 @!p0 $0xFFFFF086;
	s6 =	sadd.s32 @!p0 s3, s7;
	s7 =	simm.s32 @!p0 $0x108  }
0x21: {  	s3 =	sadd.s32 s3, s9;
	s6 =	sadd.s32 @!p0 $0x88, s6;
	s7 =	simm.s32 @p2 $0x1082  }
0x22: {  	[simem:s7], [sflag:s8] =	dma.local @!p0 [hbm:s6], $0xF7A  }
0x23: {  	s9 =	sor.u32 $0xD0000000, s2;
	s6 =	simm.s32 $0x108;
	_ =	swait.ge @!p0 [sflag:s8], $0x0  }
0x24: {  	s3 =	sadd.s32 $0x88, s3;
	s6 =	simm.s32 @!p1 $0x1082;
	[sflag:s4] =	ssyncset.s32 $0xFFFFF086  }
0x25: {  	[simem:s6], [sflag:s4] =	dma.local [hbm:s3], $0xF7A  }
0x26: {  	[smem:$0x3F98] =	sst s1;
	(tag) =	ssettag s2;
	_ =	strace s9  }
0x27: {  	s1 =	sld [smem:$0x3FA8]  }
0x28: {  	s2 =	sld [smem:$0x3FA9]  }
0x29: {  	s4 =	sld [smem:$0x3FAB]  }
0x2a: {  	p0 =	seq.s32 s5, $0x0;
	s5 =	sld [smem:$0x3FAC]  }
0x2b: {  	s6 =	sld [smem:$0x3FAD]  }
0x2c: {  	s7 =	sld [smem:$0x3FAE]  }
0x2d: {  	s3 =	simm.s32 $0x108;
	s8 =	sld [smem:$0x3FAF]  }
0x2e: {  	s3 =	simm.s32 @!p0 $0x1082;
	s9 =	sld [smem:$0x3FB0]  }
0x2f: {  	lr =	sadd.s32 s0, s3;
	s0 =	sld [smem:$0x3FA7]  }
0x30: {  	s3 =	sld [smem:$0x3FAA]  }
0x31: {  	[smem:$0x3FB3] =	sst s10  }
0x32: {  	s10 =	sld [smem:$0x3FB1];
	_ =	sdelay $0x3  }
0x33: {  	p0 =	seq.s32 s10, $0x1;
	s10 =	sld [smem:$0x3FB3];
	_ =	sdelay $0x3  }
0x34: {  	[smem:$0x3FB3] =	sst s10  }
0x35: {  	s10 =	sld [smem:$0x3FB2];
	_ =	sdelay $0x3  }
0x36: {  	p1 =	seq.s32 s10, $0x1;
	s10 =	sld [smem:$0x3FB3];
	_ =	sdelay $0x3  }
0x37: {  	[smem:$0x3FB3] =	sst s10  }
0x38: {  	s10 =	sld [smem:$0x3FB4]  }
0x39: {  	_ = 	snop;
	(pc) =	sbr.ind lr, $3  }
0x3a: {  	_ = 	snop  }
0x3b: {  	_ = 	snop  }
0x3c: {  	p2 =	seq.s32 s10, $0x1;
	s10 =	sld [smem:$0x3FB3]  }
0x3d: {  	_ =	shalt  }
0x3e: {  	_ =	shalt  }
0x3f: {  	_ =	shalt  }
0x40: {  	_ =	shalt  }
0x41: {  	_ =	shalt  }
0x42: {  	_ =	shalt  }
0x43: {  	_ =	shalt  }
0x44: {  	_ =	shalt  }
0x45: {  	_ =	shalt  }
0x46: {  	_ =	shalt  }
0x47: {  	_ =	shalt  }
0x48: {  	_ =	shalt  }
0x49: {  	_ =	shalt  }
0x4a: {  	_ =	shalt  }
0x4b: {  	_ =	shalt  }
0x4c: {  	_ =	shalt  }
0x4d: {  	_ =	shalt  }
0x4e: {  	_ =	shalt  }
0x4f: {  	_ =	shalt  }
0x50: {  	_ =	shalt  }
0x51: {  	_ =	shalt  }
0x52: {  	_ =	shalt  }
0x53: {  	_ =	shalt  }
0x54: {  	_ =	shalt  }
0x55: {  	_ =	shalt  }
0x56: {  	_ =	shalt  }
0x57: {  	_ =	shalt  }
0x58: {  	_ =	shalt  }
0x59: {  	_ =	shalt  }
0x5a: {  	_ =	shalt  }
0x5b: {  	_ =	shalt  }
0x5c: {  	_ =	shalt  }
0x5d: {  	_ =	shalt  }
0x5e: {  	_ =	shalt  }
0x5f: {  	_ =	shalt  }
0x60: {  	_ =	shalt  }
0x61: {  	_ =	shalt  }
0x62: {  	_ =	shalt  }
0x63: {  	_ =	shalt  }
0x64: {  	_ =	shalt  }
0x65: {  	_ =	shalt  }
0x66: {  	_ =	shalt  }
0x67: {  	_ =	shalt  }
0x68: {  	_ =	shalt  }
0x69: {  	_ =	shalt  }
0x6a: {  	_ =	shalt  }
0x6b: {  	_ =	shalt  }
0x6c: {  	_ =	shalt  }
0x6d: {  	_ =	shalt  }
0x6e: {  	_ =	shalt  }
0x6f: {  	_ =	shalt  }
0x70: {  	_ =	shalt  }
0x71: {  	_ =	shalt  }
0x72: {  	_ =	shalt  }
0x73: {  	_ =	shalt  }
0x74: {  	_ =	shalt  }
0x75: {  	_ =	shalt  }
0x76: {  	_ =	shalt  }
0x77: {  	_ =	shalt  }
0x78: {  	_ =	shalt  }
0x79: {  	_ =	shalt  }
0x7a: {  	_ =	shalt  }
0x7b: {  	_ =	shalt  }
0x7c: {  	_ =	shalt  }
0x7d: {  	_ =	shalt  }
0x7e: {  	_ =	shalt  }
0x7f: {  	_ =	shalt  }
0x80: {  	_ =	shalt  }
0x81: {  	_ =	shalt  }
0x82: {  	_ =	shalt  }
0x83: {  	_ =	shalt  }
0x84: {  	_ =	shalt  }
0x85: {  	_ =	shalt  }
0x86: {  	_ =	shalt  }
0x87: {  	_ =	shalt  }
.Lfunc_end0:
.L_simem_size_0:
called_computation_lowered:
.L_overlay_start_0:
0x88: {  	s2 =	sld [smem:$0x3FD9]  }
0x89: {  	s3 =	sld [smem:$0x3FFE];
	_ =	sdelay $0x1  }
0x8a: {  	s1 =	srdreg.scid  }
0x8b: {  	s0 =	sand.u32 $0x1, s1  }
0x8c: {  	s17 =	sshll.u32 s0, $0xA;
	s2 =	sadd.s32 s3, s2  }
0x8d: {  	s2 =	sadd.s32 s2, s17  }
0x8e: {  	[smem:$0x3FBF] =	sst s2  }
0x8f: {  	_ = 	snop  }
0x90: {  	s2 =	sld [smem:$0x3FD0];
	(tm) =	ssettm $0x1  }
0x91: {  	s18 =	sld [smem:$0x3FFB];
	_ =	sdelay $0x3  }
0x92: {  	_ =	strace s18  }
0x93: {  	s3 =	sld [smem:$0x3FFC];
	_ =	sdelay $0x3  }
0x94: {  	_ =	strace s3  }
0x95: {  	s3 =	sld [smem:$0x3FFD];
	_ =	sdelay $0x3  }
0x96: {  	_ =	strace s3  }
0x97: {  	_ =	strace $0x8FFFFFFF  }
0x98: {  	s19 =	sld [smem:$0x3FDB];
	_ =	sdelay $0x1  }
0x99: {  	s4 =	simm.s32 $_scs_section_size  }
0x9a: {  	s5 =	simm.s32 $_size__tile_overlayer_lowered;
	s6 =	simm.s32 $_tile_overlayer_lowered  }
0x9b: {  	s22 =	simm.s32 $0x1BFF;
	s21 =	sshll.u32 s6, $0x1;
	s3 =	sadd.s32 s4, s19  }
0x9c: {  	s7 =	simm.s32 $0x0;
	s20 =	sshll.u32 s5, $0x1;
	s5 =	sadd.s32 s21, s3  }
0x9d: {  	[timem:s7], [sflag:s22] =	dma.local [hbm:s5], s20  }
0x9e: {  	_ =	swait.ge [sflag:s22], s20  }
0x9f: {  	s4 =	ssub.s32 $0x0, s20;
	[sflag:s22] =	ssyncset.done $0x0  }
0xa0: {  	[sflag:s22] =	ssyncadd.s32 s4;
	_ =	sdelay $0x1  }
0xa1: {  	s23 =	simm.s32 $0x1B8B  }
0xa2: {  	_ =	swait.ge [sflag:s23], $0x1  }
0xa3: {  	[sflag:s23] =	ssyncset.done $0x0  }
0xa4: {  	s25 =	simm.s32 $0x1B8E;
	s24 =	sld [smem:$0x3FFE];
	[sflag:s23] =	ssyncadd.s32 $0xFFFFFFFF  }
0xa5: {  	s26 =	simm.s32 $execute0_lowered;
	[smem:$0x3FD2] =	sst s25  }
0xa6: {  	s5 =	sshll.u32 s26, $0x1;
	_ =	strace $0x80000046;
	[dreg:$0x1] =	wrdreg $0xFFFFFFFF  }
0xa7: {  	s28 =	simm.s32 $_size_execute0_lowered;
	s3 =	sadd.s32 s3, s5;
	[dreg:$0x0] =	wrdreg $0x0  }
0xa8: {  	s5 =	sshll.u32 s28, $0x1;
	[dreg:$0x2] =	wrdreg s3  }
0xa9: {  	[dreg:$0x3] =	wrdreg s5  }
0xaa: {  	[dreg:$0x4] =	wrdreg $0xC0  }
0xab: {  	_ =	task [dreg:s7], $0x5FFFF  }
0xac: {  	[dreg:$0x1] =	wrdreg $0xFFFFFFFF  }
0xad: {  	[dreg:$0x0] =	wrdreg $0x60  }
0xae: {  	[dreg:$0x2] =	wrdreg s24  }
0xaf: {  	[dreg:$0x3] =	wrdreg s2  }
0xb0: {  	[dreg:$0x4] =	wrdreg $0x9  }
0xb1: {  	_ =	task.clear_ibuf [dreg:s7], $0x5FFFF;
	_ =	strace $0x90000046  }
0xb2: {  	s29 =	simm.s32 $0x9;
	_ =	strace $0x80000048  }
0xb3: {  	_ =	swait.ge [sflag:s29], $0x1  }
0xb4: {  	[sflag:s29] =	ssyncadd.s32 $0xFFFFFFFF  }
0xb5: {  	_ =	strace $0x90000048  }
0xb6: {  	_ =	sfence  }
0xb7: {  	s30 =	sld [smem:$0x0];
	_ =	sdelay $0x2  }
0xb8: {  	s31 =	sshll.u32 s1, $0xD;
	s1 =	sshrl.u32 s1, $0x2  }
0xb9: {  	s3 =	sand.u32 $0x4000, s31;
	s1 =	sadd.s32 s1, s30  }
0xba: {  	s0 =	sor.u32 s3, s0;
	s1 =	sshll.u32 s1, $0x11  }
0xbb: {  	s0 =	sor.u32 s1, s0  }
0xbc: {  	s0 =	sadd.s32 $0x8F2B, s0  }
0xbd: {  	[sflag:s0] =	ssyncadd.remote.s32 $0x1  }
0xbe: {  	_ =	sfence.sel $0xFFFF  }
0xbf: {  	[dreg:$0x0] =	wrdreg $0xFFFFFFFF;
	(pc) =	sbr.abs _section_cstart, $3  }
0xc0: {  	[dreg:$0x1] =	wrdreg $0xFFFFFFFF  }
0xc1: {  	_ =	task.clear_ibuf [dreg:s7], $0x2FFFF;
	_ =	strace $0x9FFFFFFF  }
0xc2: {  	(tm) =	ssettm $0x7FFFFFFF  }
0xc3: {  	_ =	shalt  }
tec
execute0_lowered:
.L_overlay_start_1:
0x0: {  	(tag) =	ssettag $0x1  }
0x1: {  	s5 =	rddreg [dreg:$0x0]  }
0x2: {  	s0 =	srdreg.scid;
	s6 =	rddreg [dreg:$0x1];
	s10 =	simm.s32 $0x2780  }
0x3: {  	s11 =	simm.s32 $0x80;
	s12 =	simm.s32 $0x400;
	s4 =	sand.u32 $0x1, s0  }
0x4: {  	s13 =	simm.s32 $0x4F00;
	s0 =	stileid.u32;
	s1 =	sshll.u32 s4, $0x4  }
0x5: {  	s14 =	simm.s32 $0x7680;
	s15 =	simm.s32 $0x0;
	s2 =	sor.u32 s0, s1  }
0x6: {  	s7 =	sshll.u32 s0, $0x7;
	s8 =	ssub.s32 $0x2, s4;
	s3 =	sshrl.u32 s2, $0x3  }
0x7: {  	s4 =	sadd.s32 $0xDE00, s5;
	s1 =	rddreg [dreg:$0x2];
	s3 =	smul.u32 $0x13C00, s3  }
0x8: {  	s7 =	sand.u32 $0x380, s7;
	s31 =	sshrl.u32 s8, $0x1;
	s2 =	simm.s32 $0x0  }
0x9: {  	s8 =	ssub.s32 s8, s31;
	[smem:$0x7FF] =	sst s2;
	s7 =	sor.u32 s7, s3  }
0xa: {  	s8 =	smax.u32 s8, $0x1;
	_ =	strace $0x80000047;
	s7 =	sshrl.u32 s7, $0x3  }
0xb: {  	s3 =	sadd.s32 $0xD800, s5;
	s9 =	sadd.s32 s7, s5;
	s5 =	sadd.s32 s6, s7  }
0xc: {  	s6 =	sadd.s32 $0x3A00, s9;
	s7 =	sadd.s32 $0xE400, s9;
	s9 =	simm.s32 $0x1  }
.LBB2_1:
0xd: {  	[tilespmem:s2], [sflag:$0x1] =	stream.linear.gather [hbm4b:s3+s2], $0x2780, $0x38;
	[tilespmem:$0x9E00] =	vst v63  }
0xe: {  	_ =	swait.ge [sflag:s9], $0x2780  }
0xf: {  	[sflag:s9] =	ssyncset.done $0x0  }
0x10: {  	[sflag:s9] =	ssyncadd.s32 $0xFFFFD880  }
0x11: {  	[tilespmem:s10], [sflag:$0x1] =	stream.linear.gather [hbm4b:s4+s2], $0x2780, $0x38;
	[tilespmem:$0x9E00] =	vst v63  }
0x12: {  	_ =	swait.ge [sflag:s9], $0x2780  }
0x13: {  	[sflag:s9] =	ssyncset.done $0x0  }
0x14: {  	[sflag:s9] =	ssyncadd.s32 $0xFFFFD880  }
0x15: {  	[tilespmem:s13], [sflag:$0x1] =	stream.strided.gather [hbm4b:s5+s11], $0x2780, s12, s11, $0x38;
	[tilespmem:$0x9E00] =	vst v63  }
0x16: {  	_ =	swait.ge [sflag:s9], $0x2780  }
0x17: {  	[sflag:s9] =	ssyncset.done $0x0  }
0x18: {  	[sflag:s9] =	ssyncadd.s32 $0xFFFFD880  }
0x19: {  	[tilespmem:s14], [sflag:$0x1] =	stream.strided.gather [hbm4b:s6+s11], $0x2780, s12, s11, $0x38;
	[tilespmem:$0x9E00] =	vst v63  }
0x1a: {  	_ =	swait.ge [sflag:s9], $0x2780  }
0x1b: {  	[sflag:s9] =	ssyncset.done $0x0  }
0x1c: {  	s17 =	simm.s32 $0x0;
	s16 =	simm.s32 $0x40;
	[sflag:s9] =	ssyncadd.s32 $0xFFFFD880  }
.LBB2_2:
0x1d: {  	p0 =	sne.s32 s16, $0x9DC0;
	v0 =	vld [tilespmem:s17+$0x4F00];
	_ =	sdelay $0x5  }
0x1e: {  	v1 =	vld [tilespmem:s17+$0x7680];
	_ =	sdelay $0x1  }
0x1f: {  	v0 =	vld.idx.msk [tilespmem:v0+s2+$0x0], $0xffff;
	_ =	sdelay $0x1  }
.Ltmp0:
0x20: {  	(pc) =	sbr.rel @p0 .LBB2_2-.Ltmp0, $2  }
0x21: {  	_ =	sdelay $0x2  }
0x22: {  	s17 =	sshra.s32 s16, $0x2;
	s16 =	sadd.s32 $0x40, s16;
	[tilespmem:v1+s10+$0x0] =	vst.idx.add.f32.msk $0xffff, v0  }
0x23: {  	v0 =	vld [tilespmem:s17+$0x4F00];
	_ =	sdelay $0x4  }
0x24: {  	v1 =	vld [tilespmem:s17+$0x7680];
	_ =	sdelay $0x2  }
0x25: {  	v0 =	vld.idx.msk [tilespmem:v0+s2+$0x0], $0xffff;
	_ =	sdelay $0x2  }
0x26: {  	s15 =	sadd.s32 $0x1, s15  }
0x27: {  	p0 =	sne.s32 s15, s8  }
.Ltmp1:
0x28: {  	[tilespmem:v1+s10+$0x0] =	vst.idx.add.f32.msk $0xffff, v0;
	(pc) =	sbr.rel @p0 .LBB2_1-.Ltmp1, $4  }
0x29: {  	[hbm4b:s7+s11] =	stream.strided.scatter [tilespmem:s10], [sflag:$0x1], $0x2780, s12, s11, $0x38;
	[tilespmem:$0x9E00] =	vst v63  }
0x2a: {  	_ =	swait.ge [sflag:s9], $0x2780  }
0x2b: {  	[sflag:s9] =	ssyncset.done $0x0  }
0x2c: {  	[sflag:s9] =	ssyncadd.s32 $0xFFFFD880  }
0x2d: {  	_ =	sfence.sel $0x180000  }
0x2e: {  	[bflag:$0x0] =	sbarrier.arrive $0xFFFF  }
0x2f: {  	p0 =	sne.s32 s0, $0x0;
	_ =	strace $0x90000047  }
0x30: {  	s0 =	sadd.s32 @!p0 $0x100000, s1;
	[bflag:$0x2] =	sbarrier.arrive $0xFFFF  }
0x31: {  	[sflag:s0] =	ssyncadd.tile.s32 @!p0 $0x1;
	_ =	shalt  }
.Lfunc_end2:
_tile_overlayer_lowered:
.L_overlay_start_2:
0x32: {  	(tag) =	ssettag $0x2  }
0x33: {  	s0 =	rddreg [dreg:$0x0];
	s2 =	stileid.u32  }
0x34: {  	s1 =	rddreg [dreg:$0x1];
	p0 =	sne.s32 s2, $0x0  }
0x35: {  	s3 =	rddreg [dreg:$0x2];
	[bflag:$0x3] =	sbarrier.arrive $0xFFFF;
	s2 =	simm.s32 @!p0 $0x1C01  }
0x36: {  	[timem:s3], [sflag:s2] =	dma.local @!p0 [hbm:s0], s1  }
0x37: {  	s0 =	simm.s32 @!p0 $0x1  }
0x38: {  	_ =	swait.ge @!p0 [sflag:s0], s1  }
0x39: {  	s1 =	ssub.s32 @!p0 $0x0, s1;
	[sflag:s0] =	ssyncset.done @!p0 $0x0  }
0x3a: {  	[sflag:s0] =	ssyncadd.s32 @!p0 s1  }
0x3b: {  	[bflag:$0x3] =	sbarrier.arrive $0xFFFF  }
0x3c: {  	_ =	shalt  }

// kernel: kernel.13.cloned.1.call-start
scs
__scs_entry_jumppad:
0x0: {  	(pc) =	sbr.rel $0x88, $3  }
0x1: {  	(tag) =	ssettag $0x0;
	lr =	simm.s32 $0x1  }
0x2: {  	[smem:$0x3F98] =	sst lr;
	_ =	strace $0xD0000000  }
0x3: {  	_ = 	snop  }
0x4: {  	_ = 	snop  }
0x5: {  	_ = 	snop  }
0x6: {  	_ = 	snop  }
0x7: {  	_ = 	snop  }
__scs_overlays_trampoline_lowered:
0x8: {  	[smem:$0x3FA7] =	sst s0  }
0x9: {  	[smem:$0x3FA8] =	sst s1  }
0xa: {  	[smem:$0x3FA9] =	sst s2  }
0xb: {  	[smem:$0x3FAA] =	sst s3  }
0xc: {  	[smem:$0x3FAB] =	sst s4  }
0xd: {  	[smem:$0x3FAC] =	sst s5  }
0xe: {  	[smem:$0x3FAD] =	sst s6  }
0xf: {  	[smem:$0x3FAE] =	sst s7  }
0x10: {  	[smem:$0x3FAF] =	sst s8  }
0x11: {  	[smem:$0x3FB0] =	sst s9;
	s0 =	simm.s32 @!p0 $0x0  }
0x12: {  	s1 =	sld [smem:$0x3F96];
	s0 =	simm.s32 @p0 $0x1  }
0x13: {  	[smem:$0x3FB1] =	sst s0;
	s0 =	simm.s32 @!p1 $0x0  }
0x14: {  	s2 =	sld [smem:$0x3F95];
	s0 =	simm.s32 @p1 $0x1  }
0x15: {  	[smem:$0x3FB2] =	sst s0;
	s0 =	simm.s32 @!p2 $0x0  }
0x16: {  	s3 =	sld [smem:$0x3FDB];
	s0 =	simm.s32 @p2 $0x1  }
0x17: {  	s4 =	simm.s32 $0x1BF5;
	[smem:$0x3FB4] =	sst s0  }
0x18: {  	s0 =	sld [smem:$0x3F97];
	_ =	swait.ge [sflag:s4], $0x0  }
0x19: {  	s7 =	sld [smem:$0x3F98]  }
0x1a: {  	s8 =	sadd.s32 $0xFFFFE003, lr  }
0x1b: {  	s9 =	sadd.s32 $0xFFFFFEF7, lr;
	s5 =	simm.s32 $0xFFFFFFFF;
	p2 =	slt.u32 s8, $0xFFFFF086  }
0x1c: {  	p1 =	slt.u32 s9, $0xF7A;
	s5 =	simm.s32 @!p2 $0x0  }
0x1d: {  	s5 =	simm.s32 @p1 $0x1;
	p0 =	seq.s32 s7, s2  }
0x1e: {  	s7 =	smul.u32 @!p0 $0xF7A, s2;
	p2 =	seq.s32 @!p0 s5, $0x0  }
0x1f: {  	s9 =	smul.u32 $0xF7A, s1;
	s8 =	simm.s32 @!p0 $0x1BF5;
	p2 =	por !p2, p0  }
0x20: {  	[sflag:s8] =	ssyncset.s32 @!p0 $0xFFFFF086;
	s6 =	sadd.s32 @!p0 s3, s7;
	s7 =	simm.s32 @!p0 $0x108  }
0x21: {  	s3 =	sadd.s32 s3, s9;
	s6 =	sadd.s32 @!p0 $0x88, s6;
	s7 =	simm.s32 @p2 $0x1082  }
0x22: {  	[simem:s7], [sflag:s8] =	dma.local @!p0 [hbm:s6], $0xF7A  }
0x23: {  	s9 =	sor.u32 $0xD0000000, s2;
	s6 =	simm.s32 $0x108;
	_ =	swait.ge @!p0 [sflag:s8], $0x0  }
0x24: {  	s3 =	sadd.s32 $0x88, s3;
	s6 =	simm.s32 @!p1 $0x1082;
	[sflag:s4] =	ssyncset.s32 $0xFFFFF086  }
0x25: {  	[simem:s6], [sflag:s4] =	dma.local [hbm:s3], $0xF7A  }
0x26: {  	[smem:$0x3F98] =	sst s1;
	(tag) =	ssettag s2;
	_ =	strace s9  }
0x27: {  	s1 =	sld [smem:$0x3FA8]  }
0x28: {  	s2 =	sld [smem:$0x3FA9]  }
0x29: {  	s4 =	sld [smem:$0x3FAB]  }
0x2a: {  	p0 =	seq.s32 s5, $0x0;
	s5 =	sld [smem:$0x3FAC]  }
0x2b: {  	s6 =	sld [smem:$0x3FAD]  }
0x2c: {  	s7 =	sld [smem:$0x3FAE]  }
0x2d: {  	s3 =	simm.s32 $0x108;
	s8 =	sld [smem:$0x3FAF]  }
0x2e: {  	s3 =	simm.s32 @!p0 $0x1082;
	s9 =	sld [smem:$0x3FB0]  }
0x2f: {  	lr =	sadd.s32 s0, s3;
	s0 =	sld [smem:$0x3FA7]  }
0x30: {  	s3 =	sld [smem:$0x3FAA]  }
0x31: {  	[smem:$0x3FB3] =	sst s10  }
0x32: {  	s10 =	sld [smem:$0x3FB1];
	_ =	sdelay $0x3  }
0x33: {  	p0 =	seq.s32 s10, $0x1;
	s10 =	sld [smem:$0x3FB3];
	_ =	sdelay $0x3  }
0x34: {  	[smem:$0x3FB3] =	sst s10  }
0x35: {  	s10 =	sld [smem:$0x3FB2];
	_ =	sdelay $0x3  }
0x36: {  	p1 =	seq.s32 s10, $0x1;
	s10 =	sld [smem:$0x3FB3];
	_ =	sdelay $0x3  }
0x37: {  	[smem:$0x3FB3] =	sst s10  }
0x38: {  	s10 =	sld [smem:$0x3FB4]  }
0x39: {  	_ = 	snop;
	(pc) =	sbr.ind lr, $3  }
0x3a: {  	_ = 	snop  }
0x3b: {  	_ = 	snop  }
0x3c: {  	p2 =	seq.s32 s10, $0x1;
	s10 =	sld [smem:$0x3FB3]  }
0x3d: {  	_ =	shalt  }
0x3e: {  	_ =	shalt  }
0x3f: {  	_ =	shalt  }
0x40: {  	_ =	shalt  }
0x41: {  	_ =	shalt  }
0x42: {  	_ =	shalt  }
0x43: {  	_ =	shalt  }
0x44: {  	_ =	shalt  }
0x45: {  	_ =	shalt  }
0x46: {  	_ =	shalt  }
0x47: {  	_ =	shalt  }
0x48: {  	_ =	shalt  }
0x49: {  	_ =	shalt  }
0x4a: {  	_ =	shalt  }
0x4b: {  	_ =	shalt  }
0x4c: {  	_ =	shalt  }
0x4d: {  	_ =	shalt  }
0x4e: {  	_ =	shalt  }
0x4f: {  	_ =	shalt  }
0x50: {  	_ =	shalt  }
0x51: {  	_ =	shalt  }
0x52: {  	_ =	shalt  }
0x53: {  	_ =	shalt  }
0x54: {  	_ =	shalt  }
0x55: {  	_ =	shalt  }
0x56: {  	_ =	shalt  }
0x57: {  	_ =	shalt  }
0x58: {  	_ =	shalt  }
0x59: {  	_ =	shalt  }
0x5a: {  	_ =	shalt  }
0x5b: {  	_ =	shalt  }
0x5c: {  	_ =	shalt  }
0x5d: {  	_ =	shalt  }
0x5e: {  	_ =	shalt  }
0x5f: {  	_ =	shalt  }
0x60: {  	_ =	shalt  }
0x61: {  	_ =	shalt  }
0x62: {  	_ =	shalt  }
0x63: {  	_ =	shalt  }
0x64: {  	_ =	shalt  }
0x65: {  	_ =	shalt  }
0x66: {  	_ =	shalt  }
0x67: {  	_ =	shalt  }
0x68: {  	_ =	shalt  }
0x69: {  	_ =	shalt  }
0x6a: {  	_ =	shalt  }
0x6b: {  	_ =	shalt  }
0x6c: {  	_ =	shalt  }
0x6d: {  	_ =	shalt  }
0x6e: {  	_ =	shalt  }
0x6f: {  	_ =	shalt  }
0x70: {  	_ =	shalt  }
0x71: {  	_ =	shalt  }
0x72: {  	_ =	shalt  }
0x73: {  	_ =	shalt  }
0x74: {  	_ =	shalt  }
0x75: {  	_ =	shalt  }
0x76: {  	_ =	shalt  }
0x77: {  	_ =	shalt  }
0x78: {  	_ =	shalt  }
0x79: {  	_ =	shalt  }
0x7a: {  	_ =	shalt  }
0x7b: {  	_ =	shalt  }
0x7c: {  	_ =	shalt  }
0x7d: {  	_ =	shalt  }
0x7e: {  	_ =	shalt  }
0x7f: {  	_ =	shalt  }
0x80: {  	_ =	shalt  }
0x81: {  	_ =	shalt  }
0x82: {  	_ =	shalt  }
0x83: {  	_ =	shalt  }
0x84: {  	_ =	shalt  }
0x85: {  	_ =	shalt  }
0x86: {  	_ =	shalt  }
0x87: {  	_ =	shalt  }
.Lfunc_end0:
.L_simem_size_0:
called_computation.1_lowered:
.L_overlay_start_0:
0x88: {  	s2 =	sld [smem:$0x3FD9]  }
0x89: {  	s3 =	sld [smem:$0x3FFE];
	_ =	sdelay $0x1  }
0x8a: {  	s1 =	srdreg.scid  }
0x8b: {  	s0 =	sand.u32 $0x1, s1  }
0x8c: {  	s17 =	sshll.u32 s0, $0xA;
	s2 =	sadd.s32 s3, s2  }
0x8d: {  	s2 =	sadd.s32 s2, s17  }
0x8e: {  	[smem:$0x3FBF] =	sst s2  }
0x8f: {  	_ = 	snop  }
0x90: {  	s2 =	sld [smem:$0x3FD0];
	(tm) =	ssettm $0x1  }
0x91: {  	s18 =	sld [smem:$0x3FFB];
	_ =	sdelay $0x3  }
0x92: {  	_ =	strace s18  }
0x93: {  	s3 =	sld [smem:$0x3FFC];
	_ =	sdelay $0x3  }
0x94: {  	_ =	strace s3  }
0x95: {  	s3 =	sld [smem:$0x3FFD];
	_ =	sdelay $0x3  }
0x96: {  	_ =	strace s3  }
0x97: {  	_ =	strace $0x8FFFFFFF  }
0x98: {  	s19 =	sld [smem:$0x3FDB];
	_ =	sdelay $0x1  }
0x99: {  	s4 =	simm.s32 $_scs_section_size  }
0x9a: {  	s5 =	simm.s32 $_size__tile_overlayer_lowered;
	s6 =	simm.s32 $_tile_overlayer_lowered  }
0x9b: {  	s22 =	simm.s32 $0x1BFF;
	s21 =	sshll.u32 s6, $0x1;
	s3 =	sadd.s32 s4, s19  }
0x9c: {  	s7 =	simm.s32 $0x0;
	s20 =	sshll.u32 s5, $0x1;
	s5 =	sadd.s32 s21, s3  }
0x9d: {  	[timem:s7], [sflag:s22] =	dma.local [hbm:s5], s20  }
0x9e: {  	_ =	swait.ge [sflag:s22], s20  }
0x9f: {  	s4 =	ssub.s32 $0x0, s20;
	[sflag:s22] =	ssyncset.done $0x0  }
0xa0: {  	[sflag:s22] =	ssyncadd.s32 s4;
	_ =	sdelay $0x1  }
0xa1: {  	s23 =	simm.s32 $0x1B8B  }
0xa2: {  	_ =	swait.ge [sflag:s23], $0x1  }
0xa3: {  	[sflag:s23] =	ssyncset.done $0x0  }
0xa4: {  	s25 =	simm.s32 $0x1B8E;
	s24 =	sld [smem:$0x3FFE];
	[sflag:s23] =	ssyncadd.s32 $0xFFFFFFFF  }
0xa5: {  	s26 =	simm.s32 $execute0_lowered;
	[smem:$0x3FD2] =	sst s25  }
0xa6: {  	s5 =	sshll.u32 s26, $0x1;
	_ =	strace $0x80000049;
	[dreg:$0x1] =	wrdreg $0xFFFFFFFF  }
0xa7: {  	s28 =	simm.s32 $_size_execute0_lowered;
	s3 =	sadd.s32 s3, s5;
	[dreg:$0x0] =	wrdreg $0x0  }
0xa8: {  	s5 =	sshll.u32 s28, $0x1;
	[dreg:$0x2] =	wrdreg s3  }
0xa9: {  	[dreg:$0x3] =	wrdreg s5  }
0xaa: {  	[dreg:$0x4] =	wrdreg $0xC0  }
0xab: {  	_ =	task [dreg:s7], $0x5FFFF  }
0xac: {  	[dreg:$0x1] =	wrdreg $0xFFFFFFFF  }
0xad: {  	[dreg:$0x0] =	wrdreg $0x60  }
0xae: {  	[dreg:$0x2] =	wrdreg s24  }
0xaf: {  	[dreg:$0x3] =	wrdreg s2  }
0xb0: {  	[dreg:$0x4] =	wrdreg $0xA8000  }
0xb1: {  	[dreg:$0x5] =	wrdreg $0x9  }
0xb2: {  	_ =	task.clear_ibuf [dreg:s7], $0x6FFFF;
	_ =	strace $0x90000049  }
0xb3: {  	s29 =	simm.s32 $0x9;
	_ =	strace $0x8000004B  }
0xb4: {  	_ =	swait.ge [sflag:s29], $0x1  }
0xb5: {  	[sflag:s29] =	ssyncadd.s32 $0xFFFFFFFF  }
0xb6: {  	_ =	strace $0x9000004B  }
0xb7: {  	_ =	sfence  }
0xb8: {  	s30 =	sld [smem:$0x0];
	_ =	sdelay $0x2  }
0xb9: {  	s31 =	sshll.u32 s1, $0xD;
	s1 =	sshrl.u32 s1, $0x2  }
0xba: {  	s3 =	sand.u32 $0x4000, s31;
	s1 =	sadd.s32 s1, s30  }
0xbb: {  	s0 =	sor.u32 s3, s0;
	s1 =	sshll.u32 s1, $0x11  }
0xbc: {  	s0 =	sor.u32 s1, s0  }
0xbd: {  	s0 =	sadd.s32 $0x8F2B, s0  }
0xbe: {  	[sflag:s0] =	ssyncadd.remote.s32 $0x1  }
0xbf: {  	_ =	sfence.sel $0xFFFF  }
0xc0: {  	[dreg:$0x0] =	wrdreg $0xFFFFFFFF;
	(pc) =	sbr.abs _section_cstart, $3  }
0xc1: {  	[dreg:$0x1] =	wrdreg $0xFFFFFFFF  }
0xc2: {  	_ =	task.clear_ibuf [dreg:s7], $0x2FFFF;
	_ =	strace $0x9FFFFFFF  }
0xc3: {  	(tm) =	ssettm $0x7FFFFFFF  }
tec
execute0_lowered:
.L_overlay_start_1:
0x0: {  	(tag) =	ssettag $0x1  }
0x1: {  	s6 =	rddreg [dreg:$0x0]  }
0x2: {  	s1 =	rddreg [dreg:$0x1]  }
0x3: {  	s3 =	rddreg [dreg:$0x2]  }
0x4: {  	s2 =	srdreg.scid;
	s0 =	rddreg [dreg:$0x3]  }
0x5: {  	s4 =	simm.s32 $0x0;
	s15 =	simm.s32 $0x6800;
	s9 =	sand.u32 $0x1, s2  }
0x6: {  	s16 =	simm.s32 $0x1;
	s2 =	stileid.u32;
	s5 =	smul.u32 $0x13C000, s9  }
0x7: {  	s17 =	simm.s32 $0x0;
	[smem:$0x7FF] =	sst s4;
	s8 =	smul.u32 $0x13C00, s2  }
0x8: {  	s7 =	sshll.u32 s9, $0x4;
	_ =	strace $0x8000004A;
	s10 =	smul.u32 $0x4F000, s2  }
0x9: {  	s28 =	ssub.s32 $0x2, s9;
	s31 =	sshll.u32 s2, $0x6;
	s7 =	sor.u32 s2, s7  }
0xa: {  	p0 =	seq.s32 s9, $0x1;
	s29 =	sshrl.u32 s28, $0x1;
	s7 =	smul.u32 $0x680, s7  }
0xb: {  	s8 =	sadd.s32 s8, s5;
	s5 =	sadd.s32 $0x3A00, s6;
	s30 =	sshrl.u32 s10, $0x2  }
.Ltmp0:
0xc: {  	s13 =	ssub.s32 s28, s29;
	s8 =	sshrl.u32 s8, $0x3;
	(pc) =	sbr.rel .LBB2_1-.Ltmp0, $4  }
0xd: {  	s14 =	sadd.s32 s30, s3;
	s10 =	smax.u32 s13, $0x1;
	s13 =	simm.s32 $0x3400  }
0xe: {  	s11 =	sadd.s32 s7, s6;
	s12 =	sadd.s32 s8, s6;
	s6 =	sor.u32 $0x1C02, s31  }
0xf: {  	s7 =	sadd.s32 $0x74200, s11;
	s8 =	sadd.s32 $0x67200, s11;
	s9 =	sadd.s32 $0xA8A00, s12  }
0x10: {  	s11 =	sshrl.u32 s14, $0x3;
	s12 =	simm.s32 $0x2;
	s14 =	simm.s32 $0x80  }
.LBB2_7:
0x11: {  	s18 =	sshra.s32 s18, $0x2;
	[sflag:s12] =	ssyncadd.s32 $0xFFFFC000  }
0x12: {  	[tilespmem:s15], [sflag:$0x1] =	stream.indirect.gather [hbm4b:s5+s14], $0x80, s18, s14, $0xb8;
	[tilespmem:$0x1E400] =	vst v63  }
0x13: {  	_ =	swait.ge [sflag:s16], $0x4000  }
0x14: {  	[sflag:s16] =	ssyncset.done $0x0  }
0x15: {  	s18 =	sadd.s32 $0x3400, s18;
	[sflag:s16] =	ssyncadd.s32 $0xFFFFC000  }
0x16: {  	[spmem:s3] =	stream.indirect.scatter.add.f32 [tilespmem:s15], [sflag:$0x2], $0x80, s18, s14, $0xb8;
	[tilespmem:$0x1E400] =	vst v63  }
0x17: {  	_ =	swait.ge [sflag:s12], $0x4000  }
0x18: {  	[sflag:s12] =	ssyncset.done $0x0  }
0x19: {  	[sflag:s12] =	ssyncadd.s32 $0xFFFFC000  }
.LBB2_8:
0x1a: {  	s17 =	sadd.s32 $0x1, s17  }
0x1b: {  	p1 =	sne.s32 s17, s10  }
.Ltmp1:
0x1c: {  	[bflag:$0x0] =	sbarrier.arrive $0xFFFF;
	(pc) =	sbr.rel @!p1 .LBB2_9-.Ltmp1, $4  }
0x1d: {  	[hbm:s9], [sflag:s6] =	dma.local [spmem:s11], $0x2780  }
0x1e: {  	_ =	swait.ge [sflag:s12], $0x2780  }
0x1f: {  	[sflag:s12] =	ssyncset.done $0x0  }
0x20: {  	[sflag:s12] =	ssyncadd.s32 $0xFFFFD880  }
.LBB2_1:
0x21: {  	[spmem:s11], [sflag:s6] =	dma.local [hbm:s1], $0x2780  }
0x22: {  	_ =	swait.ge [sflag:s12], $0x2780  }
0x23: {  	[sflag:s12] =	ssyncset.done $0x0  }
0x24: {  	[sflag:s12] =	ssyncadd.s32 $0xFFFFD880  }
0x25: {  	[tilespmem:s4], [sflag:$0x2] =	stream.linear.gather [hbm4b:s7+s4], $0x3280, $0x38;
	[tilespmem:$0x1E400] =	vst v63  }
0x26: {  	_ =	swait.ge [sflag:s12], $0x3280  }
0x27: {  	[sflag:s12] =	ssyncset.done $0x0  }
0x28: {  	[sflag:s12] =	ssyncadd.s32 $0xFFFFCD80  }
0x29: {  	[tilespmem:s13], [sflag:$0x2] =	stream.linear.gather [hbm4b:s8+s4], $0x3280, $0x38;
	[tilespmem:$0x1E400] =	vst v63  }
.Ltmp2:
0x2a: {  	_ =	swait.ge [sflag:s12], $0x3280;
	(pc) =	sbr.rel @!p0 .LBB2_2-.Ltmp2, $4  }
0x2b: {  	[sflag:s12] =	ssyncset.done $0x0  }
0x2c: {  	[sflag:s12] =	ssyncadd.s32 $0xFFFFCD80  }
0x2d: {  	[bflag:$0x0] =	sbarrier.arrive $0xFFFF  }
0x2e: {  	s18 =	simm.s32 $0x0  }
0x2f: {  	[tilespmem:s15], [sflag:$0x1] =	stream.indirect.gather [hbm4b:s5+s14], $0x80, s18, s14, $0xb8;
	[tilespmem:$0x1E400] =	vst v63  }
0x30: {  	_ =	swait.ge [sflag:s16], $0x4000  }
0x31: {  	[sflag:s16] =	ssyncset.done $0x0  }
0x32: {  	s31 =	simm.s32 $0x3400;
	[sflag:s16] =	ssyncadd.s32 $0xFFFFC000  }
0x33: {  	[spmem:s3] =	stream.indirect.scatter.add.f32 [tilespmem:s15], [sflag:$0x2], $0x80, s31, s14, $0xb8;
	[tilespmem:$0x1E400] =	vst v63  }
0x34: {  	_ =	swait.ge [sflag:s12], $0x4000  }
0x35: {  	s18 =	simm.s32 $0x200;
	s19 =	simm.s32 $0x400;
	[sflag:s12] =	ssyncset.done $0x0  }
.LBB2_6:
0x36: {  	s20 =	sshra.s32 s18, $0x2  }
0x37: {  	[sflag:s12] =	ssyncadd.s32 $0xFFFFC000;
	s18 =	smov.u32 s19;
	s21 =	sadd.s32 $0x200, s19  }
0x38: {  	[tilespmem:s15], [sflag:$0x1] =	stream.indirect.gather [hbm4b:s5+s14], $0x80, s20, s14, $0xb8;
	[tilespmem:$0x1E400] =	vst v63  }
0x39: {  	p1 =	sne.s32 s19, $0x6E00;
	_ =	swait.ge [sflag:s16], $0x4000  }
.Ltmp3:
0x3a: {  	[sflag:s16] =	ssyncset.done $0x0;
	(pc) =	sbr.rel @p1 .LBB2_6-.Ltmp3, $4  }
0x3b: {  	s19 =	sadd.s32 $0x3400, s20;
	[sflag:s16] =	ssyncadd.s32 $0xFFFFC000  }
0x3c: {  	[spmem:s3] =	stream.indirect.scatter.add.f32 [tilespmem:s15], [sflag:$0x2], $0x80, s19, s14, $0xb8;
	[tilespmem:$0x1E400] =	vst v63  }
0x3d: {  	_ =	swait.ge [sflag:s12], $0x4000  }
0x3e: {  	s19 =	smov.u32 s21;
	[sflag:s12] =	ssyncset.done $0x0  }
.Ltmp4:
0x3f: {  	_ = 	snop;
	(pc) =	sbr.rel .LBB2_7-.Ltmp4, $1  }
0x40: {  	_ =	sdelay $0x3  }
.LBB2_2:
0x41: {  	[tilespmem:s15], [sflag:$0x1] =	stream.indirect.gather [hbm4b:s5+s14], $0x80, s18, s14, $0xb8;
	[tilespmem:$0x1E400] =	vst v63  }
0x42: {  	_ =	swait.ge [sflag:s16], $0x4000  }
0x43: {  	[sflag:s16] =	ssyncset.done $0x0  }
0x44: {  	s31 =	simm.s32 $0x3400;
	[sflag:s16] =	ssyncadd.s32 $0xFFFFC000  }
0x45: {  	[spmem:s3] =	stream.indirect.scatter.add.f32 [tilespmem:s15], [sflag:$0x2], $0x80, s31, s14, $0xb8;
	[tilespmem:$0x1E400] =	vst v63  }
0x46: {  	_ =	swait.ge [sflag:s12], $0x4000  }
0x47: {  	s18 =	simm.s32 $0x200;
	s19 =	simm.s32 $0x400;
	[sflag:s12] =	ssyncset.done $0x0  }
.LBB2_3:
0x48: {  	s20 =	sshra.s32 s18, $0x2  }
0x49: {  	[sflag:s12] =	ssyncadd.s32 $0xFFFFC000;
	s18 =	smov.u32 s19;
	s21 =	sadd.s32 $0x200, s19  }
0x4a: {  	[tilespmem:s15], [sflag:$0x1] =	stream.indirect.gather [hbm4b:s5+s14], $0x80, s20, s14, $0xb8;
	[tilespmem:$0x1E400] =	vst v63  }
0x4b: {  	p1 =	seq.s32 s19, $0xC800;
	_ =	swait.ge [sflag:s16], $0x4000  }
.Ltmp5:
0x4c: {  	[sflag:s16] =	ssyncset.done $0x0;
	(pc) =	sbr.rel @!p1 .LBB2_3-.Ltmp5, $4  }
0x4d: {  	s19 =	sadd.s32 $0x3400, s20;
	[sflag:s16] =	ssyncadd.s32 $0xFFFFC000  }
0x4e: {  	[spmem:s3] =	stream.indirect.scatter.add.f32 [tilespmem:s15], [sflag:$0x2], $0x80, s19, s14, $0xb8;
	[tilespmem:$0x1E400] =	vst v63  }
0x4f: {  	_ =	swait.ge [sflag:s12], $0x4000  }
0x50: {  	s19 =	smov.u32 s21;
	[sflag:s12] =	ssyncset.done $0x0  }
0x51: {  	s18 =	sshra.s32 s18, $0x2;
	[sflag:s12] =	ssyncadd.s32 $0xFFFFC000  }
0x52: {  	[tilespmem:s15], [sflag:$0x1] =	stream.indirect.gather [hbm4b:s5+s14], $0x80, s18, s14, $0xb8;
	[tilespmem:$0x1E400] =	vst v63  }
0x53: {  	_ =	swait.ge [sflag:s16], $0x4000  }
0x54: {  	[sflag:s16] =	ssyncset.done $0x0  }
.Ltmp6:
0x55: {  	s18 =	sadd.s32 $0x3400, s18;
	[sflag:s16] =	ssyncadd.s32 $0xFFFFC000;
	(pc) =	sbr.rel .LBB2_8-.Ltmp6, $4  }
0x56: {  	[spmem:s3] =	stream.indirect.scatter.add.f32 [tilespmem:s15], [sflag:$0x2], $0x80, s18, s14, $0xb8;
	[tilespmem:$0x1E400] =	vst v63  }
0x57: {  	_ =	swait.ge [sflag:s12], $0x4000  }
0x58: {  	[sflag:s12] =	ssyncset.done $0x0  }
0x59: {  	[sflag:s12] =	ssyncadd.s32 $0xFFFFC000  }
.LBB2_9:
0x5a: {  	_ =	sfence.sel $0x180000  }
0x5b: {  	[bflag:$0x0] =	sbarrier.arrive $0xFFFF  }
0x5c: {  	p0 =	sne.s32 s2, $0x0;
	_ =	strace $0x9000004A  }
0x5d: {  	s0 =	sadd.s32 @!p0 $0x100000, s0;
	[bflag:$0x2] =	sbarrier.arrive $0xFFFF  }
0x5e: {  	[sflag:s0] =	ssyncadd.tile.s32 @!p0 $0x1;
	_ =	shalt  }
.Lfunc_end2:
_tile_overlayer_lowered:
.L_overlay_start_2:
0x5f: {  	(tag) =	ssettag $0x2  }
0x60: {  	s0 =	rddreg [dreg:$0x0];
	s2 =	stileid.u32  }
0x61: {  	s1 =	rddreg [dreg:$0x1];
	p0 =	sne.s32 s2, $0x0  }
0x62: {  	s3 =	rddreg [dreg:$0x2];
	[bflag:$0x3] =	sbarrier.arrive $0xFFFF;
	s2 =	simm.s32 @!p0 $0x1C02  }
0x63: {  	[timem:s3], [sflag:s2] =	dma.local @!p0 [hbm:s0], s1  }
0x64: {  	s0 =	simm.s32 @!p0 $0x2  }
0x65: {  	_ =	swait.ge @!p0 [sflag:s0], s1  }
0x66: {  	s1 =	ssub.s32 @!p0 $0x0, s1;
	[sflag:s0] =	ssyncset.done @!p0 $0x0  }
0x67: {  	[sflag:s0] =	ssyncadd.s32 @!p0 s1  }
0x68: {  	[bflag:$0x3] =	sbarrier.arrive $0xFFFF  }
0x69: {  	_ =	shalt  }

// kernel: kernel.16.cloned.1.call-start
scs
__scs_entry_jumppad:
0x0: {  	(pc) =	sbr.rel $0x88, $3  }
0x1: {  	(tag) =	ssettag $0x0;
	lr =	simm.s32 $0x1  }
0x2: {  	[smem:$0x3F98] =	sst lr;
	_ =	strace $0xD0000000  }
0x3: {  	_ = 	snop  }
0x4: {  	_ = 	snop  }
0x5: {  	_ = 	snop  }
0x6: {  	_ = 	snop  }
0x7: {  	_ = 	snop  }
__scs_overlays_trampoline_lowered:
0x8: {  	[smem:$0x3FA7] =	sst s0  }
0x9: {  	[smem:$0x3FA8] =	sst s1  }
0xa: {  	[smem:$0x3FA9] =	sst s2  }
0xb: {  	[smem:$0x3FAA] =	sst s3  }
0xc: {  	[smem:$0x3FAB] =	sst s4  }
0xd: {  	[smem:$0x3FAC] =	sst s5  }
0xe: {  	[smem:$0x3FAD] =	sst s6  }
0xf: {  	[smem:$0x3FAE] =	sst s7  }
0x10: {  	[smem:$0x3FAF] =	sst s8  }
0x11: {  	[smem:$0x3FB0] =	sst s9;
	s0 =	simm.s32 @!p0 $0x0  }
0x12: {  	s1 =	sld [smem:$0x3F96];
	s0 =	simm.s32 @p0 $0x1  }
0x13: {  	[smem:$0x3FB1] =	sst s0;
	s0 =	simm.s32 @!p1 $0x0  }
0x14: {  	s2 =	sld [smem:$0x3F95];
	s0 =	simm.s32 @p1 $0x1  }
0x15: {  	[smem:$0x3FB2] =	sst s0;
	s0 =	simm.s32 @!p2 $0x0  }
0x16: {  	s3 =	sld [smem:$0x3FDB];
	s0 =	simm.s32 @p2 $0x1  }
0x17: {  	s4 =	simm.s32 $0x1BF5;
	[smem:$0x3FB4] =	sst s0  }
0x18: {  	s0 =	sld [smem:$0x3F97];
	_ =	swait.ge [sflag:s4], $0x0  }
0x19: {  	s7 =	sld [smem:$0x3F98]  }
0x1a: {  	s8 =	sadd.s32 $0xFFFFE003, lr  }
0x1b: {  	s9 =	sadd.s32 $0xFFFFFEF7, lr;
	s5 =	simm.s32 $0xFFFFFFFF;
	p2 =	slt.u32 s8, $0xFFFFF086  }
0x1c: {  	p1 =	slt.u32 s9, $0xF7A;
	s5 =	simm.s32 @!p2 $0x0  }
0x1d: {  	s5 =	simm.s32 @p1 $0x1;
	p0 =	seq.s32 s7, s2  }
0x1e: {  	s7 =	smul.u32 @!p0 $0xF7A, s2;
	p2 =	seq.s32 @!p0 s5, $0x0  }
0x1f: {  	s9 =	smul.u32 $0xF7A, s1;
	s8 =	simm.s32 @!p0 $0x1BF5;
	p2 =	por !p2, p0  }
0x20: {  	[sflag:s8] =	ssyncset.s32 @!p0 $0xFFFFF086;
	s6 =	sadd.s32 @!p0 s3, s7;
	s7 =	simm.s32 @!p0 $0x108  }
0x21: {  	s3 =	sadd.s32 s3, s9;
	s6 =	sadd.s32 @!p0 $0x88, s6;
	s7 =	simm.s32 @p2 $0x1082  }
0x22: {  	[simem:s7], [sflag:s8] =	dma.local @!p0 [hbm:s6], $0xF7A  }
0x23: {  	s9 =	sor.u32 $0xD0000000, s2;
	s6 =	simm.s32 $0x108;
	_ =	swait.ge @!p0 [sflag:s8], $0x0  }
0x24: {  	s3 =	sadd.s32 $0x88, s3;
	s6 =	simm.s32 @!p1 $0x1082;
	[sflag:s4] =	ssyncset.s32 $0xFFFFF086  }
0x25: {  	[simem:s6], [sflag:s4] =	dma.local [hbm:s3], $0xF7A  }
0x26: {  	[smem:$0x3F98] =	sst s1;
	(tag) =	ssettag s2;
	_ =	strace s9  }
0x27: {  	s1 =	sld [smem:$0x3FA8]  }
0x28: {  	s2 =	sld [smem:$0x3FA9]  }
0x29: {  	s4 =	sld [smem:$0x3FAB]  }
0x2a: {  	p0 =	seq.s32 s5, $0x0;
	s5 =	sld [smem:$0x3FAC]  }
0x2b: {  	s6 =	sld [smem:$0x3FAD]  }
0x2c: {  	s7 =	sld [smem:$0x3FAE]  }
0x2d: {  	s3 =	simm.s32 $0x108;
	s8 =	sld [smem:$0x3FAF]  }
0x2e: {  	s3 =	simm.s32 @!p0 $0x1082;
	s9 =	sld [smem:$0x3FB0]  }
0x2f: {  	lr =	sadd.s32 s0, s3;
	s0 =	sld [smem:$0x3FA7]  }
0x30: {  	s3 =	sld [smem:$0x3FAA]  }
0x31: {  	[smem:$0x3FB3] =	sst s10  }
0x32: {  	s10 =	sld [smem:$0x3FB1];
	_ =	sdelay $0x3  }
0x33: {  	p0 =	seq.s32 s10, $0x1;
	s10 =	sld [smem:$0x3FB3];
	_ =	sdelay $0x3  }
0x34: {  	[smem:$0x3FB3] =	sst s10  }
0x35: {  	s10 =	sld [smem:$0x3FB2];
	_ =	sdelay $0x3  }
0x36: {  	p1 =	seq.s32 s10, $0x1;
	s10 =	sld [smem:$0x3FB3];
	_ =	sdelay $0x3  }
0x37: {  	[smem:$0x3FB3] =	sst s10  }
0x38: {  	s10 =	sld [smem:$0x3FB4]  }
0x39: {  	_ = 	snop;
	(pc) =	sbr.ind lr, $3  }
0x3a: {  	_ = 	snop  }
0x3b: {  	_ = 	snop  }
0x3c: {  	p2 =	seq.s32 s10, $0x1;
	s10 =	sld [smem:$0x3FB3]  }
0x3d: {  	_ =	shalt  }
0x3e: {  	_ =	shalt  }
0x3f: {  	_ =	shalt  }
0x40: {  	_ =	shalt  }
0x41: {  	_ =	shalt  }
0x42: {  	_ =	shalt  }
0x43: {  	_ =	shalt  }
0x44: {  	_ =	shalt  }
0x45: {  	_ =	shalt  }
0x46: {  	_ =	shalt  }
0x47: {  	_ =	shalt  }
0x48: {  	_ =	shalt  }
0x49: {  	_ =	shalt  }
0x4a: {  	_ =	shalt  }
0x4b: {  	_ =	shalt  }
0x4c: {  	_ =	shalt  }
0x4d: {  	_ =	shalt  }
0x4e: {  	_ =	shalt  }
0x4f: {  	_ =	shalt  }
0x50: {  	_ =	shalt  }
0x51: {  	_ =	shalt  }
0x52: {  	_ =	shalt  }
0x53: {  	_ =	shalt  }
0x54: {  	_ =	shalt  }
0x55: {  	_ =	shalt  }
0x56: {  	_ =	shalt  }
0x57: {  	_ =	shalt  }
0x58: {  	_ =	shalt  }
0x59: {  	_ =	shalt  }
0x5a: {  	_ =	shalt  }
0x5b: {  	_ =	shalt  }
0x5c: {  	_ =	shalt  }
0x5d: {  	_ =	shalt  }
0x5e: {  	_ =	shalt  }
0x5f: {  	_ =	shalt  }
0x60: {  	_ =	shalt  }
0x61: {  	_ =	shalt  }
0x62: {  	_ =	shalt  }
0x63: {  	_ =	shalt  }
0x64: {  	_ =	shalt  }
0x65: {  	_ =	shalt  }
0x66: {  	_ =	shalt  }
0x67: {  	_ =	shalt  }
0x68: {  	_ =	shalt  }
0x69: {  	_ =	shalt  }
0x6a: {  	_ =	shalt  }
0x6b: {  	_ =	shalt  }
0x6c: {  	_ =	shalt  }
0x6d: {  	_ =	shalt  }
0x6e: {  	_ =	shalt  }
0x6f: {  	_ =	shalt  }
0x70: {  	_ =	shalt  }
0x71: {  	_ =	shalt  }
0x72: {  	_ =	shalt  }
0x73: {  	_ =	shalt  }
0x74: {  	_ =	shalt  }
0x75: {  	_ =	shalt  }
0x76: {  	_ =	shalt  }
0x77: {  	_ =	shalt  }
0x78: {  	_ =	shalt  }
0x79: {  	_ =	shalt  }
0x7a: {  	_ =	shalt  }
0x7b: {  	_ =	shalt  }
0x7c: {  	_ =	shalt  }
0x7d: {  	_ =	shalt  }
0x7e: {  	_ =	shalt  }
0x7f: {  	_ =	shalt  }
0x80: {  	_ =	shalt  }
0x81: {  	_ =	shalt  }
0x82: {  	_ =	shalt  }
0x83: {  	_ =	shalt  }
0x84: {  	_ =	shalt  }
0x85: {  	_ =	shalt  }
0x86: {  	_ =	shalt  }
0x87: {  	_ =	shalt  }
.Lfunc_end0:
.L_simem_size_0:
called_computation.2_lowered:
.L_overlay_start_0:
0x88: {  	s2 =	sld [smem:$0x3FD9]  }
0x89: {  	s3 =	sld [smem:$0x3FFE];
	_ =	sdelay $0x1  }
0x8a: {  	s1 =	srdreg.scid  }
0x8b: {  	s0 =	sand.u32 $0x1, s1  }
0x8c: {  	s17 =	sshll.u32 s0, $0xA;
	s2 =	sadd.s32 s3, s2  }
0x8d: {  	s2 =	sadd.s32 s2, s17  }
0x8e: {  	[smem:$0x3FBF] =	sst s2  }
0x8f: {  	_ = 	snop  }
0x90: {  	s2 =	sld [smem:$0x3FD0];
	(tm) =	ssettm $0x1  }
0x91: {  	s18 =	sld [smem:$0x3FFB];
	_ =	sdelay $0x3  }
0x92: {  	_ =	strace s18  }
0x93: {  	s3 =	sld [smem:$0x3FFC];
	_ =	sdelay $0x3  }
0x94: {  	_ =	strace s3  }
0x95: {  	s3 =	sld [smem:$0x3FFD];
	_ =	sdelay $0x3  }
0x96: {  	_ =	strace s3  }
0x97: {  	_ =	strace $0x8FFFFFFF  }
0x98: {  	s19 =	sld [smem:$0x3FDB];
	_ =	sdelay $0x1  }
0x99: {  	s4 =	simm.s32 $_scs_section_size  }
0x9a: {  	s5 =	simm.s32 $_size__tile_overlayer_lowered;
	s6 =	simm.s32 $_tile_overlayer_lowered  }
0x9b: {  	s22 =	simm.s32 $0x1BFF;
	s21 =	sshll.u32 s6, $0x1;
	s3 =	sadd.s32 s4, s19  }
0x9c: {  	s7 =	simm.s32 $0x0;
	s20 =	sshll.u32 s5, $0x1;
	s5 =	sadd.s32 s21, s3  }
0x9d: {  	[timem:s7], [sflag:s22] =	dma.local [hbm:s5], s20  }
0x9e: {  	_ =	swait.ge [sflag:s22], s20  }
0x9f: {  	s4 =	ssub.s32 $0x0, s20;
	[sflag:s22] =	ssyncset.done $0x0  }
0xa0: {  	[sflag:s22] =	ssyncadd.s32 s4;
	_ =	sdelay $0x1  }
0xa1: {  	s23 =	simm.s32 $0x1B8B  }
0xa2: {  	_ =	swait.ge [sflag:s23], $0x1  }
0xa3: {  	[sflag:s23] =	ssyncset.done $0x0  }
0xa4: {  	s25 =	simm.s32 $0x1B8E;
	s24 =	sld [smem:$0x3FFE];
	[sflag:s23] =	ssyncadd.s32 $0xFFFFFFFF  }
0xa5: {  	s26 =	simm.s32 $execute0_lowered;
	[smem:$0x3FD2] =	sst s25  }
0xa6: {  	s5 =	sshll.u32 s26, $0x1;
	_ =	strace $0x8000004C;
	[dreg:$0x1] =	wrdreg $0xFFFFFFFF  }
0xa7: {  	s28 =	simm.s32 $_size_execute0_lowered;
	s3 =	sadd.s32 s3, s5;
	[dreg:$0x0] =	wrdreg $0x0  }
0xa8: {  	s5 =	sshll.u32 s28, $0x1;
	[dreg:$0x2] =	wrdreg s3  }
0xa9: {  	[dreg:$0x3] =	wrdreg s5  }
0xaa: {  	[dreg:$0x4] =	wrdreg $0xC0  }
0xab: {  	_ =	task [dreg:s7], $0x5FFFF  }
0xac: {  	[dreg:$0x1] =	wrdreg $0xFFFFFFFF  }
0xad: {  	[dreg:$0x0] =	wrdreg $0x60  }
0xae: {  	[dreg:$0x2] =	wrdreg s24  }
0xaf: {  	[dreg:$0x3] =	wrdreg s2  }
0xb0: {  	[dreg:$0x4] =	wrdreg $0xA8000  }
0xb1: {  	[dreg:$0x5] =	wrdreg $0x9  }
0xb2: {  	_ =	task.clear_ibuf [dreg:s7], $0x6FFFF;
	_ =	strace $0x9000004C  }
0xb3: {  	s29 =	simm.s32 $0x9;
	_ =	strace $0x8000004E  }
0xb4: {  	_ =	swait.ge [sflag:s29], $0x1  }
0xb5: {  	[sflag:s29] =	ssyncadd.s32 $0xFFFFFFFF  }
0xb6: {  	_ =	strace $0x9000004E  }
0xb7: {  	_ =	sfence  }
0xb8: {  	s30 =	sld [smem:$0x0];
	_ =	sdelay $0x2  }
0xb9: {  	s31 =	sshll.u32 s1, $0xD;
	s1 =	sshrl.u32 s1, $0x2  }
0xba: {  	s3 =	sand.u32 $0x4000, s31;
	s1 =	sadd.s32 s1, s30  }
0xbb: {  	s0 =	sor.u32 s3, s0;
	s1 =	sshll.u32 s1, $0x11  }
0xbc: {  	s0 =	sor.u32 s1, s0  }
0xbd: {  	s0 =	sadd.s32 $0x8F2B, s0  }
0xbe: {  	[sflag:s0] =	ssyncadd.remote.s32 $0x1  }
0xbf: {  	_ =	sfence.sel $0xFFFF  }
0xc0: {  	[dreg:$0x0] =	wrdreg $0xFFFFFFFF;
	(pc) =	sbr.abs _section_cstart, $3  }
0xc1: {  	[dreg:$0x1] =	wrdreg $0xFFFFFFFF  }
0xc2: {  	_ =	task.clear_ibuf [dreg:s7], $0x2FFFF;
	_ =	strace $0x9FFFFFFF  }
0xc3: {  	(tm) =	ssettm $0x7FFFFFFF  }
tec
execute0_lowered:
.L_overlay_start_1:
0x0: {  	(tag) =	ssettag $0x1  }
0x1: {  	s6 =	rddreg [dreg:$0x0]  }
0x2: {  	s1 =	rddreg [dreg:$0x1]  }
0x3: {  	s3 =	rddreg [dreg:$0x2]  }
0x4: {  	s2 =	srdreg.scid;
	s0 =	rddreg [dreg:$0x3]  }
0x5: {  	s4 =	simm.s32 $0x0;
	s15 =	simm.s32 $0x6800;
	s9 =	sand.u32 $0x1, s2  }
0x6: {  	s16 =	simm.s32 $0x1;
	s2 =	stileid.u32;
	s5 =	smul.u32 $0x13C000, s9  }
0x7: {  	s17 =	simm.s32 $0x0;
	[smem:$0x7FF] =	sst s4;
	s8 =	smul.u32 $0x13C00, s2  }
0x8: {  	s7 =	sshll.u32 s9, $0x4;
	_ =	strace $0x8000004D;
	s10 =	smul.u32 $0x4F000, s2  }
0x9: {  	s28 =	ssub.s32 $0x2, s9;
	s31 =	sshll.u32 s2, $0x6;
	s7 =	sor.u32 s2, s7  }
0xa: {  	p0 =	seq.s32 s9, $0x1;
	s29 =	sshrl.u32 s28, $0x1;
	s7 =	smul.u32 $0x680, s7  }
0xb: {  	s8 =	sadd.s32 s8, s5;
	s5 =	sadd.s32 $0x3A00, s6;
	s30 =	sshrl.u32 s10, $0x2  }
.Ltmp0:
0xc: {  	s13 =	ssub.s32 s28, s29;
	s8 =	sshrl.u32 s8, $0x3;
	(pc) =	sbr.rel .LBB2_1-.Ltmp0, $4  }
0xd: {  	s14 =	sadd.s32 s30, s3;
	s10 =	smax.u32 s13, $0x1;
	s13 =	simm.s32 $0x3400  }
0xe: {  	s11 =	sadd.s32 s7, s6;
	s12 =	sadd.s32 s8, s6;
	s6 =	sor.u32 $0x1C02, s31  }
0xf: {  	s7 =	sadd.s32 $0x74200, s11;
	s8 =	sadd.s32 $0x67200, s11;
	s9 =	sadd.s32 $0xA8A00, s12  }
0x10: {  	s11 =	sshrl.u32 s14, $0x3;
	s12 =	simm.s32 $0x2;
	s14 =	simm.s32 $0x80  }
.LBB2_7:
0x11: {  	s18 =	sshra.s32 s18, $0x2;
	[sflag:s12] =	ssyncadd.s32 $0xFFFFC000  }
0x12: {  	[tilespmem:s15], [sflag:$0x1] =	stream.indirect.gather [hbm4b:s5+s14], $0x80, s18, s14, $0xb8;
	[tilespmem:$0x1E400] =	vst v63  }
0x13: {  	_ =	swait.ge [sflag:s16], $0x4000  }
0x14: {  	[sflag:s16] =	ssyncset.done $0x0  }
0x15: {  	s18 =	sadd.s32 $0x3400, s18;
	[sflag:s16] =	ssyncadd.s32 $0xFFFFC000  }
0x16: {  	[spmem:s3] =	stream.indirect.scatter.add.f32 [tilespmem:s15], [sflag:$0x2], $0x80, s18, s14, $0xb8;
	[tilespmem:$0x1E400] =	vst v63  }
0x17: {  	_ =	swait.ge [sflag:s12], $0x4000  }
0x18: {  	[sflag:s12] =	ssyncset.done $0x0  }
0x19: {  	[sflag:s12] =	ssyncadd.s32 $0xFFFFC000  }
.LBB2_8:
0x1a: {  	s17 =	sadd.s32 $0x1, s17  }
0x1b: {  	p1 =	sne.s32 s17, s10  }
.Ltmp1:
0x1c: {  	[bflag:$0x0] =	sbarrier.arrive $0xFFFF;
	(pc) =	sbr.rel @!p1 .LBB2_9-.Ltmp1, $4  }
0x1d: {  	[hbm:s9], [sflag:s6] =	dma.local [spmem:s11], $0x2780  }
0x1e: {  	_ =	swait.ge [sflag:s12], $0x2780  }
0x1f: {  	[sflag:s12] =	ssyncset.done $0x0  }
0x20: {  	[sflag:s12] =	ssyncadd.s32 $0xFFFFD880  }
.LBB2_1:
0x21: {  	[spmem:s11], [sflag:s6] =	dma.local [hbm:s1], $0x2780  }
0x22: {  	_ =	swait.ge [sflag:s12], $0x2780  }
0x23: {  	[sflag:s12] =	ssyncset.done $0x0  }
0x24: {  	[sflag:s12] =	ssyncadd.s32 $0xFFFFD880  }
0x25: {  	[tilespmem:s4], [sflag:$0x2] =	stream.linear.gather [hbm4b:s7+s4], $0x3280, $0x38;
	[tilespmem:$0x1E400] =	vst v63  }
0x26: {  	_ =	swait.ge [sflag:s12], $0x3280  }
0x27: {  	[sflag:s12] =	ssyncset.done $0x0  }
0x28: {  	[sflag:s12] =	ssyncadd.s32 $0xFFFFCD80  }
0x29: {  	[tilespmem:s13], [sflag:$0x2] =	stream.linear.gather [hbm4b:s8+s4], $0x3280, $0x38;
	[tilespmem:$0x1E400] =	vst v63  }
.Ltmp2:
0x2a: {  	_ =	swait.ge [sflag:s12], $0x3280;
	(pc) =	sbr.rel @!p0 .LBB2_2-.Ltmp2, $4  }
0x2b: {  	[sflag:s12] =	ssyncset.done $0x0  }
0x2c: {  	[sflag:s12] =	ssyncadd.s32 $0xFFFFCD80  }
0x2d: {  	[bflag:$0x0] =	sbarrier.arrive $0xFFFF  }
0x2e: {  	s18 =	simm.s32 $0x0  }
0x2f: {  	[tilespmem:s15], [sflag:$0x1] =	stream.indirect.gather [hbm4b:s5+s14], $0x80, s18, s14, $0xb8;
	[tilespmem:$0x1E400] =	vst v63  }
0x30: {  	_ =	swait.ge [sflag:s16], $0x4000  }
0x31: {  	[sflag:s16] =	ssyncset.done $0x0  }
0x32: {  	s31 =	simm.s32 $0x3400;
	[sflag:s16] =	ssyncadd.s32 $0xFFFFC000  }
0x33: {  	[spmem:s3] =	stream.indirect.scatter.add.f32 [tilespmem:s15], [sflag:$0x2], $0x80, s31, s14, $0xb8;
	[tilespmem:$0x1E400] =	vst v63  }
0x34: {  	_ =	swait.ge [sflag:s12], $0x4000  }
0x35: {  	s18 =	simm.s32 $0x200;
	s19 =	simm.s32 $0x400;
	[sflag:s12] =	ssyncset.done $0x0  }
.LBB2_6:
0x36: {  	s20 =	sshra.s32 s18, $0x2  }
0x37: {  	[sflag:s12] =	ssyncadd.s32 $0xFFFFC000;
	s18 =	smov.u32 s19;
	s21 =	sadd.s32 $0x200, s19  }
0x38: {  	[tilespmem:s15], [sflag:$0x1] =	stream.indirect.gather [hbm4b:s5+s14], $0x80, s20, s14, $0xb8;
	[tilespmem:$0x1E400] =	vst v63  }
0x39: {  	p1 =	sne.s32 s19, $0x6E00;
	_ =	swait.ge [sflag:s16], $0x4000  }
.Ltmp3:
0x3a: {  	[sflag:s16] =	ssyncset.done $0x0;
	(pc) =	sbr.rel @p1 .LBB2_6-.Ltmp3, $4  }
0x3b: {  	s19 =	sadd.s32 $0x3400, s20;
	[sflag:s16] =	ssyncadd.s32 $0xFFFFC000  }
0x3c: {  	[spmem:s3] =	stream.indirect.scatter.add.f32 [tilespmem:s15], [sflag:$0x2], $0x80, s19, s14, $0xb8;
	[tilespmem:$0x1E400] =	vst v63  }
0x3d: {  	_ =	swait.ge [sflag:s12], $0x4000  }
0x3e: {  	s19 =	smov.u32 s21;
	[sflag:s12] =	ssyncset.done $0x0  }
.Ltmp4:
0x3f: {  	_ = 	snop;
	(pc) =	sbr.rel .LBB2_7-.Ltmp4, $1  }
0x40: {  	_ =	sdelay $0x3  }
.LBB2_2:
0x41: {  	[tilespmem:s15], [sflag:$0x1] =	stream.indirect.gather [hbm4b:s5+s14], $0x80, s18, s14, $0xb8;
	[tilespmem:$0x1E400] =	vst v63  }
0x42: {  	_ =	swait.ge [sflag:s16], $0x4000  }
0x43: {  	[sflag:s16] =	ssyncset.done $0x0  }
0x44: {  	s31 =	simm.s32 $0x3400;
	[sflag:s16] =	ssyncadd.s32 $0xFFFFC000  }
0x45: {  	[spmem:s3] =	stream.indirect.scatter.add.f32 [tilespmem:s15], [sflag:$0x2], $0x80, s31, s14, $0xb8;
	[tilespmem:$0x1E400] =	vst v63  }
0x46: {  	_ =	swait.ge [sflag:s12], $0x4000  }
0x47: {  	s18 =	simm.s32 $0x200;
	s19 =	simm.s32 $0x400;
	[sflag:s12] =	ssyncset.done $0x0  }
.LBB2_3:
0x48: {  	s20 =	sshra.s32 s18, $0x2  }
0x49: {  	[sflag:s12] =	ssyncadd.s32 $0xFFFFC000;
	s18 =	smov.u32 s19;
	s21 =	sadd.s32 $0x200, s19  }
0x4a: {  	[tilespmem:s15], [sflag:$0x1] =	stream.indirect.gather [hbm4b:s5+s14], $0x80, s20, s14, $0xb8;
	[tilespmem:$0x1E400] =	vst v63  }
0x4b: {  	p1 =	seq.s32 s19, $0xC800;
	_ =	swait.ge [sflag:s16], $0x4000  }
.Ltmp5:
0x4c: {  	[sflag:s16] =	ssyncset.done $0x0;
	(pc) =	sbr.rel @!p1 .LBB2_3-.Ltmp5, $4  }
0x4d: {  	s19 =	sadd.s32 $0x3400, s20;
	[sflag:s16] =	ssyncadd.s32 $0xFFFFC000  }
0x4e: {  	[spmem:s3] =	stream.indirect.scatter.add.f32 [tilespmem:s15], [sflag:$0x2], $0x80, s19, s14, $0xb8;
	[tilespmem:$0x1E400] =	vst v63  }
0x4f: {  	_ =	swait.ge [sflag:s12], $0x4000  }
0x50: {  	s19 =	smov.u32 s21;
	[sflag:s12] =	ssyncset.done $0x0  }
0x51: {  	s18 =	sshra.s32 s18, $0x2;
	[sflag:s12] =	ssyncadd.s32 $0xFFFFC000  }
0x52: {  	[tilespmem:s15], [sflag:$0x1] =	stream.indirect.gather [hbm4b:s5+s14], $0x80, s18, s14, $0xb8;
	[tilespmem:$0x1E400] =	vst v63  }
0x53: {  	_ =	swait.ge [sflag:s16], $0x4000  }
0x54: {  	[sflag:s16] =	ssyncset.done $0x0  }
.Ltmp6:
0x55: {  	s18 =	sadd.s32 $0x3400, s18;
	[sflag:s16] =	ssyncadd.s32 $0xFFFFC000;
	(pc) =	sbr.rel .LBB2_8-.Ltmp6, $4  }
0x56: {  	[spmem:s3] =	stream.indirect.scatter.add.f32 [tilespmem:s15], [sflag:$0x2], $0x80, s18, s14, $0xb8;
	[tilespmem:$0x1E400] =	vst v63  }
0x57: {  	_ =	swait.ge [sflag:s12], $0x4000  }
0x58: {  	[sflag:s12] =	ssyncset.done $0x0  }
0x59: {  	[sflag:s12] =	ssyncadd.s32 $0xFFFFC000  }
.LBB2_9:
0x5a: {  	_ =	sfence.sel $0x180000  }
0x5b: {  	[bflag:$0x0] =	sbarrier.arrive $0xFFFF  }
0x5c: {  	p0 =	sne.s32 s2, $0x0;
	_ =	strace $0x9000004D  }
0x5d: {  	s0 =	sadd.s32 @!p0 $0x100000, s0;
	[bflag:$0x2] =	sbarrier.arrive $0xFFFF  }
0x5e: {  	[sflag:s0] =	ssyncadd.tile.s32 @!p0 $0x1;
	_ =	shalt  }
.Lfunc_end2:
_tile_overlayer_lowered:
.L_overlay_start_2:
0x5f: {  	(tag) =	ssettag $0x2  }
0x60: {  	s0 =	rddreg [dreg:$0x0];
	s2 =	stileid.u32  }
0x61: {  	s1 =	rddreg [dreg:$0x1];
	p0 =	sne.s32 s2, $0x0  }
0x62: {  	s3 =	rddreg [dreg:$0x2];
	[bflag:$0x3] =	sbarrier.arrive $0xFFFF;
	s2 =	simm.s32 @!p0 $0x1C02  }
0x63: {  	[timem:s3], [sflag:s2] =	dma.local @!p0 [hbm:s0], s1  }
0x64: {  	s0 =	simm.s32 @!p0 $0x2  }
0x65: {  	_ =	swait.ge @!p0 [sflag:s0], s1  }
0x66: {  	s1 =	ssub.s32 @!p0 $0x0, s1;
	[sflag:s0] =	ssyncset.done @!p0 $0x0  }
0x67: {  	[sflag:s0] =	ssyncadd.s32 @!p0 s1  }
0x68: {  	[bflag:$0x3] =	sbarrier.arrive $0xFFFF  }
0x69: {  	_ =	shalt  }

// kernel: kernel.19.cloned.1.call-start
scs
__scs_entry_jumppad:
0x0: {  	(pc) =	sbr.rel $0x88, $3  }
0x1: {  	(tag) =	ssettag $0x0;
	lr =	simm.s32 $0x1  }
0x2: {  	[smem:$0x3F98] =	sst lr;
	_ =	strace $0xD0000000  }
0x3: {  	_ = 	snop  }
0x4: {  	_ = 	snop  }
0x5: {  	_ = 	snop  }
0x6: {  	_ = 	snop  }
0x7: {  	_ = 	snop  }
__scs_overlays_trampoline_lowered:
0x8: {  	[smem:$0x3FA7] =	sst s0  }
0x9: {  	[smem:$0x3FA8] =	sst s1  }
0xa: {  	[smem:$0x3FA9] =	sst s2  }
0xb: {  	[smem:$0x3FAA] =	sst s3  }
0xc: {  	[smem:$0x3FAB] =	sst s4  }
0xd: {  	[smem:$0x3FAC] =	sst s5  }
0xe: {  	[smem:$0x3FAD] =	sst s6  }
0xf: {  	[smem:$0x3FAE] =	sst s7  }
0x10: {  	[smem:$0x3FAF] =	sst s8  }
0x11: {  	[smem:$0x3FB0] =	sst s9;
	s0 =	simm.s32 @!p0 $0x0  }
0x12: {  	s1 =	sld [smem:$0x3F96];
	s0 =	simm.s32 @p0 $0x1  }
0x13: {  	[smem:$0x3FB1] =	sst s0;
	s0 =	simm.s32 @!p1 $0x0  }
0x14: {  	s2 =	sld [smem:$0x3F95];
	s0 =	simm.s32 @p1 $0x1  }
0x15: {  	[smem:$0x3FB2] =	sst s0;
	s0 =	simm.s32 @!p2 $0x0  }
0x16: {  	s3 =	sld [smem:$0x3FDB];
	s0 =	simm.s32 @p2 $0x1  }
0x17: {  	s4 =	simm.s32 $0x1BF5;
	[smem:$0x3FB4] =	sst s0  }
0x18: {  	s0 =	sld [smem:$0x3F97];
	_ =	swait.ge [sflag:s4], $0x0  }
0x19: {  	s7 =	sld [smem:$0x3F98]  }
0x1a: {  	s8 =	sadd.s32 $0xFFFFE003, lr  }
0x1b: {  	s9 =	sadd.s32 $0xFFFFFEF7, lr;
	s5 =	simm.s32 $0xFFFFFFFF;
	p2 =	slt.u32 s8, $0xFFFFF086  }
0x1c: {  	p1 =	slt.u32 s9, $0xF7A;
	s5 =	simm.s32 @!p2 $0x0  }
0x1d: {  	s5 =	simm.s32 @p1 $0x1;
	p0 =	seq.s32 s7, s2  }
0x1e: {  	s7 =	smul.u32 @!p0 $0xF7A, s2;
	p2 =	seq.s32 @!p0 s5, $0x0  }
0x1f: {  	s9 =	smul.u32 $0xF7A, s1;
	s8 =	simm.s32 @!p0 $0x1BF5;
	p2 =	por !p2, p0  }
0x20: {  	[sflag:s8] =	ssyncset.s32 @!p0 $0xFFFFF086;
	s6 =	sadd.s32 @!p0 s3, s7;
	s7 =	simm.s32 @!p0 $0x108  }
0x21: {  	s3 =	sadd.s32 s3, s9;
	s6 =	sadd.s32 @!p0 $0x88, s6;
	s7 =	simm.s32 @p2 $0x1082  }
0x22: {  	[simem:s7], [sflag:s8] =	dma.local @!p0 [hbm:s6], $0xF7A  }
0x23: {  	s9 =	sor.u32 $0xD0000000, s2;
	s6 =	simm.s32 $0x108;
	_ =	swait.ge @!p0 [sflag:s8], $0x0  }
0x24: {  	s3 =	sadd.s32 $0x88, s3;
	s6 =	simm.s32 @!p1 $0x1082;
	[sflag:s4] =	ssyncset.s32 $0xFFFFF086  }
0x25: {  	[simem:s6], [sflag:s4] =	dma.local [hbm:s3], $0xF7A  }
0x26: {  	[smem:$0x3F98] =	sst s1;
	(tag) =	ssettag s2;
	_ =	strace s9  }
0x27: {  	s1 =	sld [smem:$0x3FA8]  }
0x28: {  	s2 =	sld [smem:$0x3FA9]  }
0x29: {  	s4 =	sld [smem:$0x3FAB]  }
0x2a: {  	p0 =	seq.s32 s5, $0x0;
	s5 =	sld [smem:$0x3FAC]  }
0x2b: {  	s6 =	sld [smem:$0x3FAD]  }
0x2c: {  	s7 =	sld [smem:$0x3FAE]  }
0x2d: {  	s3 =	simm.s32 $0x108;
	s8 =	sld [smem:$0x3FAF]  }
0x2e: {  	s3 =	simm.s32 @!p0 $0x1082;
	s9 =	sld [smem:$0x3FB0]  }
0x2f: {  	lr =	sadd.s32 s0, s3;
	s0 =	sld [smem:$0x3FA7]  }
0x30: {  	s3 =	sld [smem:$0x3FAA]  }
0x31: {  	[smem:$0x3FB3] =	sst s10  }
0x32: {  	s10 =	sld [smem:$0x3FB1];
	_ =	sdelay $0x3  }
0x33: {  	p0 =	seq.s32 s10, $0x1;
	s10 =	sld [smem:$0x3FB3];
	_ =	sdelay $0x3  }
0x34: {  	[smem:$0x3FB3] =	sst s10  }
0x35: {  	s10 =	sld [smem:$0x3FB2];
	_ =	sdelay $0x3  }
0x36: {  	p1 =	seq.s32 s10, $0x1;
	s10 =	sld [smem:$0x3FB3];
	_ =	sdelay $0x3  }
0x37: {  	[smem:$0x3FB3] =	sst s10  }
0x38: {  	s10 =	sld [smem:$0x3FB4]  }
0x39: {  	_ = 	snop;
	(pc) =	sbr.ind lr, $3  }
0x3a: {  	_ = 	snop  }
0x3b: {  	_ = 	snop  }
0x3c: {  	p2 =	seq.s32 s10, $0x1;
	s10 =	sld [smem:$0x3FB3]  }
0x3d: {  	_ =	shalt  }
0x3e: {  	_ =	shalt  }
0x3f: {  	_ =	shalt  }
0x40: {  	_ =	shalt  }
0x41: {  	_ =	shalt  }
0x42: {  	_ =	shalt  }
0x43: {  	_ =	shalt  }
0x44: {  	_ =	shalt  }
0x45: {  	_ =	shalt  }
0x46: {  	_ =	shalt  }
0x47: {  	_ =	shalt  }
0x48: {  	_ =	shalt  }
0x49: {  	_ =	shalt  }
0x4a: {  	_ =	shalt  }
0x4b: {  	_ =	shalt  }
0x4c: {  	_ =	shalt  }
0x4d: {  	_ =	shalt  }
0x4e: {  	_ =	shalt  }
0x4f: {  	_ =	shalt  }
0x50: {  	_ =	shalt  }
0x51: {  	_ =	shalt  }
0x52: {  	_ =	shalt  }
0x53: {  	_ =	shalt  }
0x54: {  	_ =	shalt  }
0x55: {  	_ =	shalt  }
0x56: {  	_ =	shalt  }
0x57: {  	_ =	shalt  }
0x58: {  	_ =	shalt  }
0x59: {  	_ =	shalt  }
0x5a: {  	_ =	shalt  }
0x5b: {  	_ =	shalt  }
0x5c: {  	_ =	shalt  }
0x5d: {  	_ =	shalt  }
0x5e: {  	_ =	shalt  }
0x5f: {  	_ =	shalt  }
0x60: {  	_ =	shalt  }
0x61: {  	_ =	shalt  }
0x62: {  	_ =	shalt  }
0x63: {  	_ =	shalt  }
0x64: {  	_ =	shalt  }
0x65: {  	_ =	shalt  }
0x66: {  	_ =	shalt  }
0x67: {  	_ =	shalt  }
0x68: {  	_ =	shalt  }
0x69: {  	_ =	shalt  }
0x6a: {  	_ =	shalt  }
0x6b: {  	_ =	shalt  }
0x6c: {  	_ =	shalt  }
0x6d: {  	_ =	shalt  }
0x6e: {  	_ =	shalt  }
0x6f: {  	_ =	shalt  }
0x70: {  	_ =	shalt  }
0x71: {  	_ =	shalt  }
0x72: {  	_ =	shalt  }
0x73: {  	_ =	shalt  }
0x74: {  	_ =	shalt  }
0x75: {  	_ =	shalt  }
0x76: {  	_ =	shalt  }
0x77: {  	_ =	shalt  }
0x78: {  	_ =	shalt  }
0x79: {  	_ =	shalt  }
0x7a: {  	_ =	shalt  }
0x7b: {  	_ =	shalt  }
0x7c: {  	_ =	shalt  }
0x7d: {  	_ =	shalt  }
0x7e: {  	_ =	shalt  }
0x7f: {  	_ =	shalt  }
0x80: {  	_ =	shalt  }
0x81: {  	_ =	shalt  }
0x82: {  	_ =	shalt  }
0x83: {  	_ =	shalt  }
0x84: {  	_ =	shalt  }
0x85: {  	_ =	shalt  }
0x86: {  	_ =	shalt  }
0x87: {  	_ =	shalt  }
.Lfunc_end0:
.L_simem_size_0:
called_computation.3_lowered:
.L_overlay_start_0:
0x88: {  	s2 =	sld [smem:$0x3FD9]  }
0x89: {  	s3 =	sld [smem:$0x3FFE];
	_ =	sdelay $0x1  }
0x8a: {  	s1 =	srdreg.scid  }
0x8b: {  	s0 =	sand.u32 $0x1, s1  }
0x8c: {  	s17 =	sshll.u32 s0, $0xA;
	s2 =	sadd.s32 s3, s2  }
0x8d: {  	s2 =	sadd.s32 s2, s17  }
0x8e: {  	[smem:$0x3FBF] =	sst s2  }
0x8f: {  	_ = 	snop  }
0x90: {  	s2 =	sld [smem:$0x3FD0];
	(tm) =	ssettm $0x1  }
0x91: {  	s18 =	sld [smem:$0x3FFB];
	_ =	sdelay $0x3  }
0x92: {  	_ =	strace s18  }
0x93: {  	s3 =	sld [smem:$0x3FFC];
	_ =	sdelay $0x3  }
0x94: {  	_ =	strace s3  }
0x95: {  	s3 =	sld [smem:$0x3FFD];
	_ =	sdelay $0x3  }
0x96: {  	_ =	strace s3  }
0x97: {  	_ =	strace $0x8FFFFFFF  }
0x98: {  	s19 =	sld [smem:$0x3FDB];
	_ =	sdelay $0x1  }
0x99: {  	s4 =	simm.s32 $_scs_section_size  }
0x9a: {  	s5 =	simm.s32 $_size__tile_overlayer_lowered;
	s6 =	simm.s32 $_tile_overlayer_lowered  }
0x9b: {  	s22 =	simm.s32 $0x1BFF;
	s21 =	sshll.u32 s6, $0x1;
	s3 =	sadd.s32 s4, s19  }
0x9c: {  	s7 =	simm.s32 $0x0;
	s20 =	sshll.u32 s5, $0x1;
	s5 =	sadd.s32 s21, s3  }
0x9d: {  	[timem:s7], [sflag:s22] =	dma.local [hbm:s5], s20  }
0x9e: {  	_ =	swait.ge [sflag:s22], s20  }
0x9f: {  	s4 =	ssub.s32 $0x0, s20;
	[sflag:s22] =	ssyncset.done $0x0  }
0xa0: {  	[sflag:s22] =	ssyncadd.s32 s4;
	_ =	sdelay $0x1  }
0xa1: {  	s23 =	simm.s32 $0x1B8B  }
0xa2: {  	_ =	swait.ge [sflag:s23], $0x1  }
0xa3: {  	[sflag:s23] =	ssyncset.done $0x0  }
0xa4: {  	s25 =	simm.s32 $0x1B8E;
	s24 =	sld [smem:$0x3FFE];
	[sflag:s23] =	ssyncadd.s32 $0xFFFFFFFF  }
0xa5: {  	s26 =	simm.s32 $execute0_lowered;
	[smem:$0x3FD2] =	sst s25  }
0xa6: {  	s5 =	sshll.u32 s26, $0x1;
	_ =	strace $0x8000004F;
	[dreg:$0x1] =	wrdreg $0xFFFFFFFF  }
0xa7: {  	s28 =	simm.s32 $_size_execute0_lowered;
	s3 =	sadd.s32 s3, s5;
	[dreg:$0x0] =	wrdreg $0x0  }
0xa8: {  	s5 =	sshll.u32 s28, $0x1;
	[dreg:$0x2] =	wrdreg s3  }
0xa9: {  	[dreg:$0x3] =	wrdreg s5  }
0xaa: {  	[dreg:$0x4] =	wrdreg $0xC0  }
0xab: {  	_ =	task [dreg:s7], $0x5FFFF  }
0xac: {  	[dreg:$0x1] =	wrdreg $0xFFFFFFFF  }
0xad: {  	[dreg:$0x0] =	wrdreg $0x60  }
0xae: {  	[dreg:$0x2] =	wrdreg s24  }
0xaf: {  	[dreg:$0x3] =	wrdreg s2  }
0xb0: {  	[dreg:$0x4] =	wrdreg $0xA8000  }
0xb1: {  	[dreg:$0x5] =	wrdreg $0x9  }
0xb2: {  	_ =	task.clear_ibuf [dreg:s7], $0x6FFFF;
	_ =	strace $0x9000004F  }
0xb3: {  	s29 =	simm.s32 $0x9;
	_ =	strace $0x80000051  }
0xb4: {  	_ =	swait.ge [sflag:s29], $0x1  }
0xb5: {  	[sflag:s29] =	ssyncadd.s32 $0xFFFFFFFF  }
0xb6: {  	_ =	strace $0x90000051  }
0xb7: {  	_ =	sfence  }
0xb8: {  	s30 =	sld [smem:$0x0];
	_ =	sdelay $0x2  }
0xb9: {  	s31 =	sshll.u32 s1, $0xD;
	s1 =	sshrl.u32 s1, $0x2  }
0xba: {  	s3 =	sand.u32 $0x4000, s31;
	s1 =	sadd.s32 s1, s30  }
0xbb: {  	s0 =	sor.u32 s3, s0;
	s1 =	sshll.u32 s1, $0x11  }
0xbc: {  	s0 =	sor.u32 s1, s0  }
0xbd: {  	s0 =	sadd.s32 $0x8F2B, s0  }
0xbe: {  	[sflag:s0] =	ssyncadd.remote.s32 $0x1  }
0xbf: {  	_ =	sfence.sel $0xFFFF  }
0xc0: {  	[dreg:$0x0] =	wrdreg $0xFFFFFFFF;
	(pc) =	sbr.abs _section_cstart, $3  }
0xc1: {  	[dreg:$0x1] =	wrdreg $0xFFFFFFFF  }
0xc2: {  	_ =	task.clear_ibuf [dreg:s7], $0x2FFFF;
	_ =	strace $0x9FFFFFFF  }
0xc3: {  	(tm) =	ssettm $0x7FFFFFFF  }
tec
execute0_lowered:
.L_overlay_start_1:
0x0: {  	(tag) =	ssettag $0x1  }
0x1: {  	s6 =	rddreg [dreg:$0x0]  }
0x2: {  	s1 =	rddreg [dreg:$0x1]  }
0x3: {  	s3 =	rddreg [dreg:$0x2]  }
0x4: {  	s2 =	srdreg.scid;
	s0 =	rddreg [dreg:$0x3]  }
0x5: {  	s4 =	simm.s32 $0x0;
	s15 =	simm.s32 $0x6800;
	s9 =	sand.u32 $0x1, s2  }
0x6: {  	s16 =	simm.s32 $0x1;
	s2 =	stileid.u32;
	s5 =	smul.u32 $0x13C000, s9  }
0x7: {  	s17 =	simm.s32 $0x0;
	[smem:$0x7FF] =	sst s4;
	s8 =	smul.u32 $0x13C00, s2  }
0x8: {  	s7 =	sshll.u32 s9, $0x4;
	_ =	strace $0x80000050;
	s10 =	smul.u32 $0x4F000, s2  }
0x9: {  	s28 =	ssub.s32 $0x2, s9;
	s31 =	sshll.u32 s2, $0x6;
	s7 =	sor.u32 s2, s7  }
0xa: {  	p0 =	seq.s32 s9, $0x1;
	s29 =	sshrl.u32 s28, $0x1;
	s7 =	smul.u32 $0x680, s7  }
0xb: {  	s8 =	sadd.s32 s8, s5;
	s5 =	sadd.s32 $0x3A00, s6;
	s30 =	sshrl.u32 s10, $0x2  }
.Ltmp0:
0xc: {  	s13 =	ssub.s32 s28, s29;
	s8 =	sshrl.u32 s8, $0x3;
	(pc) =	sbr.rel .LBB2_1-.Ltmp0, $4  }
0xd: {  	s14 =	sadd.s32 s30, s3;
	s10 =	smax.u32 s13, $0x1;
	s13 =	simm.s32 $0x3400  }
0xe: {  	s11 =	sadd.s32 s7, s6;
	s12 =	sadd.s32 s8, s6;
	s6 =	sor.u32 $0x1C02, s31  }
0xf: {  	s7 =	sadd.s32 $0x74200, s11;
	s8 =	sadd.s32 $0x67200, s11;
	s9 =	sadd.s32 $0xA8A00, s12  }
0x10: {  	s11 =	sshrl.u32 s14, $0x3;
	s12 =	simm.s32 $0x2;
	s14 =	simm.s32 $0x80  }
.LBB2_7:
0x11: {  	s18 =	sshra.s32 s18, $0x2;
	[sflag:s12] =	ssyncadd.s32 $0xFFFFC000  }
0x12: {  	[tilespmem:s15], [sflag:$0x1] =	stream.indirect.gather [hbm4b:s5+s14], $0x80, s18, s14, $0xb8;
	[tilespmem:$0x1E400] =	vst v63  }
0x13: {  	_ =	swait.ge [sflag:s16], $0x4000  }
0x14: {  	[sflag:s16] =	ssyncset.done $0x0  }
0x15: {  	s18 =	sadd.s32 $0x3400, s18;
	[sflag:s16] =	ssyncadd.s32 $0xFFFFC000  }
0x16: {  	[spmem:s3] =	stream.indirect.scatter.add.f32 [tilespmem:s15], [sflag:$0x2], $0x80, s18, s14, $0xb8;
	[tilespmem:$0x1E400] =	vst v63  }
0x17: {  	_ =	swait.ge [sflag:s12], $0x4000  }
0x18: {  	[sflag:s12] =	ssyncset.done $0x0  }
0x19: {  	[sflag:s12] =	ssyncadd.s32 $0xFFFFC000  }
.LBB2_8:
0x1a: {  	s17 =	sadd.s32 $0x1, s17  }
0x1b: {  	p1 =	sne.s32 s17, s10  }
.Ltmp1:
0x1c: {  	[bflag:$0x0] =	sbarrier.arrive $0xFFFF;
	(pc) =	sbr.rel @!p1 .LBB2_9-.Ltmp1, $4  }
0x1d: {  	[hbm:s9], [sflag:s6] =	dma.local [spmem:s11], $0x2780  }
0x1e: {  	_ =	swait.ge [sflag:s12], $0x2780  }
0x1f: {  	[sflag:s12] =	ssyncset.done $0x0  }
0x20: {  	[sflag:s12] =	ssyncadd.s32 $0xFFFFD880  }
.LBB2_1:
0x21: {  	[spmem:s11], [sflag:s6] =	dma.local [hbm:s1], $0x2780  }
0x22: {  	_ =	swait.ge [sflag:s12], $0x2780  }
0x23: {  	[sflag:s12] =	ssyncset.done $0x0  }
0x24: {  	[sflag:s12] =	ssyncadd.s32 $0xFFFFD880  }
0x25: {  	[tilespmem:s4], [sflag:$0x2] =	stream.linear.gather [hbm4b:s7+s4], $0x3280, $0x38;
	[tilespmem:$0x1E400] =	vst v63  }
0x26: {  	_ =	swait.ge [sflag:s12], $0x3280  }
0x27: {  	[sflag:s12] =	ssyncset.done $0x0  }
0x28: {  	[sflag:s12] =	ssyncadd.s32 $0xFFFFCD80  }
0x29: {  	[tilespmem:s13], [sflag:$0x2] =	stream.linear.gather [hbm4b:s8+s4], $0x3280, $0x38;
	[tilespmem:$0x1E400] =	vst v63  }
.Ltmp2:
0x2a: {  	_ =	swait.ge [sflag:s12], $0x3280;
	(pc) =	sbr.rel @!p0 .LBB2_2-.Ltmp2, $4  }
0x2b: {  	[sflag:s12] =	ssyncset.done $0x0  }
0x2c: {  	[sflag:s12] =	ssyncadd.s32 $0xFFFFCD80  }
0x2d: {  	[bflag:$0x0] =	sbarrier.arrive $0xFFFF  }
0x2e: {  	s18 =	simm.s32 $0x0  }
0x2f: {  	[tilespmem:s15], [sflag:$0x1] =	stream.indirect.gather [hbm4b:s5+s14], $0x80, s18, s14, $0xb8;
	[tilespmem:$0x1E400] =	vst v63  }
0x30: {  	_ =	swait.ge [sflag:s16], $0x4000  }
0x31: {  	[sflag:s16] =	ssyncset.done $0x0  }
0x32: {  	s31 =	simm.s32 $0x3400;
	[sflag:s16] =	ssyncadd.s32 $0xFFFFC000  }
0x33: {  	[spmem:s3] =	stream.indirect.scatter.add.f32 [tilespmem:s15], [sflag:$0x2], $0x80, s31, s14, $0xb8;
	[tilespmem:$0x1E400] =	vst v63  }
0x34: {  	_ =	swait.ge [sflag:s12], $0x4000  }
0x35: {  	s18 =	simm.s32 $0x200;
	s19 =	simm.s32 $0x400;
	[sflag:s12] =	ssyncset.done $0x0  }
.LBB2_6:
0x36: {  	s20 =	sshra.s32 s18, $0x2  }
0x37: {  	[sflag:s12] =	ssyncadd.s32 $0xFFFFC000;
	s18 =	smov.u32 s19;
	s21 =	sadd.s32 $0x200, s19  }
0x38: {  	[tilespmem:s15], [sflag:$0x1] =	stream.indirect.gather [hbm4b:s5+s14], $0x80, s20, s14, $0xb8;
	[tilespmem:$0x1E400] =	vst v63  }
0x39: {  	p1 =	sne.s32 s19, $0x6E00;
	_ =	swait.ge [sflag:s16], $0x4000  }
.Ltmp3:
0x3a: {  	[sflag:s16] =	ssyncset.done $0x0;
	(pc) =	sbr.rel @p1 .LBB2_6-.Ltmp3, $4  }
0x3b: {  	s19 =	sadd.s32 $0x3400, s20;
	[sflag:s16] =	ssyncadd.s32 $0xFFFFC000  }
0x3c: {  	[spmem:s3] =	stream.indirect.scatter.add.f32 [tilespmem:s15], [sflag:$0x2], $0x80, s19, s14, $0xb8;
	[tilespmem:$0x1E400] =	vst v63  }
0x3d: {  	_ =	swait.ge [sflag:s12], $0x4000  }
0x3e: {  	s19 =	smov.u32 s21;
	[sflag:s12] =	ssyncset.done $0x0  }
.Ltmp4:
0x3f: {  	_ = 	snop;
	(pc) =	sbr.rel .LBB2_7-.Ltmp4, $1  }
0x40: {  	_ =	sdelay $0x3  }
.LBB2_2:
0x41: {  	[tilespmem:s15], [sflag:$0x1] =	stream.indirect.gather [hbm4b:s5+s14], $0x80, s18, s14, $0xb8;
	[tilespmem:$0x1E400] =	vst v63  }
0x42: {  	_ =	swait.ge [sflag:s16], $0x4000  }
0x43: {  	[sflag:s16] =	ssyncset.done $0x0  }
0x44: {  	s31 =	simm.s32 $0x3400;
	[sflag:s16] =	ssyncadd.s32 $0xFFFFC000  }
0x45: {  	[spmem:s3] =	stream.indirect.scatter.add.f32 [tilespmem:s15], [sflag:$0x2], $0x80, s31, s14, $0xb8;
	[tilespmem:$0x1E400] =	vst v63  }
0x46: {  	_ =	swait.ge [sflag:s12], $0x4000  }
0x47: {  	s18 =	simm.s32 $0x200;
	s19 =	simm.s32 $0x400;
	[sflag:s12] =	ssyncset.done $0x0  }
.LBB2_3:
0x48: {  	s20 =	sshra.s32 s18, $0x2  }
0x49: {  	[sflag:s12] =	ssyncadd.s32 $0xFFFFC000;
	s18 =	smov.u32 s19;
	s21 =	sadd.s32 $0x200, s19  }
0x4a: {  	[tilespmem:s15], [sflag:$0x1] =	stream.indirect.gather [hbm4b:s5+s14], $0x80, s20, s14, $0xb8;
	[tilespmem:$0x1E400] =	vst v63  }
0x4b: {  	p1 =	seq.s32 s19, $0xC800;
	_ =	swait.ge [sflag:s16], $0x4000  }
.Ltmp5:
0x4c: {  	[sflag:s16] =	ssyncset.done $0x0;
	(pc) =	sbr.rel @!p1 .LBB2_3-.Ltmp5, $4  }
0x4d: {  	s19 =	sadd.s32 $0x3400, s20;
	[sflag:s16] =	ssyncadd.s32 $0xFFFFC000  }
0x4e: {  	[spmem:s3] =	stream.indirect.scatter.add.f32 [tilespmem:s15], [sflag:$0x2], $0x80, s19, s14, $0xb8;
	[tilespmem:$0x1E400] =	vst v63  }
0x4f: {  	_ =	swait.ge [sflag:s12], $0x4000  }
0x50: {  	s19 =	smov.u32 s21;
	[sflag:s12] =	ssyncset.done $0x0  }
0x51: {  	s18 =	sshra.s32 s18, $0x2;
	[sflag:s12] =	ssyncadd.s32 $0xFFFFC000  }
0x52: {  	[tilespmem:s15], [sflag:$0x1] =	stream.indirect.gather [hbm4b:s5+s14], $0x80, s18, s14, $0xb8;
	[tilespmem:$0x1E400] =	vst v63  }
0x53: {  	_ =	swait.ge [sflag:s16], $0x4000  }
0x54: {  	[sflag:s16] =	ssyncset.done $0x0  }
.Ltmp6:
0x55: {  	s18 =	sadd.s32 $0x3400, s18;
	[sflag:s16] =	ssyncadd.s32 $0xFFFFC000;
	(pc) =	sbr.rel .LBB2_8-.Ltmp6, $4  }
0x56: {  	[spmem:s3] =	stream.indirect.scatter.add.f32 [tilespmem:s15], [sflag:$0x2], $0x80, s18, s14, $0xb8;
	[tilespmem:$0x1E400] =	vst v63  }
0x57: {  	_ =	swait.ge [sflag:s12], $0x4000  }
0x58: {  	[sflag:s12] =	ssyncset.done $0x0  }
0x59: {  	[sflag:s12] =	ssyncadd.s32 $0xFFFFC000  }
.LBB2_9:
0x5a: {  	_ =	sfence.sel $0x180000  }
0x5b: {  	[bflag:$0x0] =	sbarrier.arrive $0xFFFF  }
0x5c: {  	p0 =	sne.s32 s2, $0x0;
	_ =	strace $0x90000050  }
0x5d: {  	s0 =	sadd.s32 @!p0 $0x100000, s0;
	[bflag:$0x2] =	sbarrier.arrive $0xFFFF  }
0x5e: {  	[sflag:s0] =	ssyncadd.tile.s32 @!p0 $0x1;
	_ =	shalt  }
.Lfunc_end2:
_tile_overlayer_lowered:
.L_overlay_start_2:
0x5f: {  	(tag) =	ssettag $0x2  }
0x60: {  	s0 =	rddreg [dreg:$0x0];
	s2 =	stileid.u32  }
0x61: {  	s1 =	rddreg [dreg:$0x1];
	p0 =	sne.s32 s2, $0x0  }
0x62: {  	s3 =	rddreg [dreg:$0x2];
	[bflag:$0x3] =	sbarrier.arrive $0xFFFF;
	s2 =	simm.s32 @!p0 $0x1C02  }
0x63: {  	[timem:s3], [sflag:s2] =	dma.local @!p0 [hbm:s0], s1  }
0x64: {  	s0 =	simm.s32 @!p0 $0x2  }
0x65: {  	_ =	swait.ge @!p0 [sflag:s0], s1  }
0x66: {  	s1 =	ssub.s32 @!p0 $0x0, s1;
	[sflag:s0] =	ssyncset.done @!p0 $0x0  }
0x67: {  	[sflag:s0] =	ssyncadd.s32 @!p0 s1  }
0x68: {  	[bflag:$0x3] =	sbarrier.arrive $0xFFFF  }
0x69: {  	_ =	shalt  }

</sc_bundles>
